<compile_context>
chip_gen: v7x
topology: tpu7x:2x2x1
jax: 0.10.2.dev20260603
libtpu: 0.0.44.dev20260713+nightly
codegen_flags: <defaults>
</compile_context>

<pallas_src>
import functools

import jax
import jax.numpy as jnp
from jax import lax
from jax.experimental import pallas as pl
from jax.experimental.pallas import tpu as pltpu
from jax.experimental.pallas import tpu_sc as plsc

NUM_OBJ_CLS = 151
NUM_REL_CLS = 51
NUM_OBJS = 4096
NUM_RELS = 65536
TPAD = 64

NC = 2
NS = 16
L = 16
NW = NC * NS
B_PER_W = NUM_RELS // NW
CHUNK = 128
N_CHUNKS = B_PER_W // CHUNK
OH_PER_W = NUM_OBJS // NW
OH_WORDS = OH_PER_W * NUM_OBJ_CLS


def _sc_body(labels_hbm, heads_hbm, tails_hbm, table_hbm, oh_hbm, out_hbm,
             labels_v, heads_v, tails_v, idx_v, oh_v, rows_a, rows_b,
             sem_g, sem_wa, sem_wb, sem_oh):
    wid = lax.axis_index("s") * NC + lax.axis_index("c")
    base = wid * B_PER_W

    pltpu.sync_copy(labels_hbm, labels_v)
    pltpu.sync_copy(heads_hbm.at[pl.ds(base, B_PER_W)], heads_v)
    pltpu.sync_copy(tails_hbm.at[pl.ds(base, B_PER_W)], tails_v)

    lane = lax.broadcasted_iota(jnp.int32, (L,), 0)
    zero16 = jnp.zeros((L,), jnp.float32)
    one16 = jnp.ones((L,), jnp.float32)

    def zstep(i, carry):
        oh_v[pl.ds(i * L, L)] = zero16
        return carry
    lax.fori_loop(0, OH_WORDS // L, zstep, 0)

    obase = wid * OH_PER_W
    for j in range(OH_PER_W // L):
        r16 = j * L + lane
        lbl = plsc.load_gather(labels_v, [obase + r16])
        plsc.store_scatter(oh_v, [r16 * NUM_OBJ_CLS + lbl], one16)
    oh_wb = pltpu.async_copy(
        oh_v, oh_hbm.at[pl.ds(wid * OH_WORDS, OH_WORDS)], sem_oh)

    def idx_chunk(k):
        def step(j, carry):
            pos = k * CHUNK + j * L + lane
            h = plsc.load_gather(heads_v, [pos])
            t = plsc.load_gather(tails_v, [pos])
            hl = plsc.load_gather(labels_v, [h])
            tl = plsc.load_gather(labels_v, [t])
            idx_v[pl.ds(k * CHUNK + j * L, L)] = hl * NUM_OBJ_CLS + tl
            return carry
        lax.fori_loop(0, CHUNK // L, step, 0)

    rows = [rows_a, rows_b]
    sems = [sem_wa, sem_wb]
    wb = [None, None]
    idx_chunk(0)
    for k in range(N_CHUNKS):
        b = k % 2
        if wb[b] is not None:
            wb[b].wait()
        g = pltpu.async_copy(
            table_hbm.at[idx_v.at[pl.ds(k * CHUNK, CHUNK)]],
            rows[b], sem_g)
        if k + 1 < N_CHUNKS:
            idx_chunk(k + 1)
        g.wait()
        wb[b] = pltpu.async_copy(
            rows[b], out_hbm.at[pl.ds(base + k * CHUNK, CHUNK)], sems[b])
    wb[0].wait()
    wb[1].wait()
    oh_wb.wait()


_sc_all = pl.kernel(
    _sc_body,
    out_type=(
        jax.ShapeDtypeStruct((NUM_OBJS * NUM_OBJ_CLS,), jnp.float32),
        jax.ShapeDtypeStruct((NUM_RELS, TPAD), jnp.float32),
    ),
    mesh=plsc.VectorSubcoreMesh(
        core_axis_name="c", subcore_axis_name="s",
        num_cores=NC, num_subcores=NS),
    scratch_types=[
        pltpu.VMEM((NUM_OBJS,), jnp.int32),
        pltpu.VMEM((B_PER_W,), jnp.int32),
        pltpu.VMEM((B_PER_W,), jnp.int32),
        pltpu.VMEM((B_PER_W,), jnp.int32),
        pltpu.VMEM((OH_WORDS,), jnp.float32),
        pltpu.VMEM((CHUNK, TPAD), jnp.float32),
        pltpu.VMEM((CHUNK, TPAD), jnp.float32),
        pltpu.SemaphoreType.DMA,
        pltpu.SemaphoreType.DMA,
        pltpu.SemaphoreType.DMA,
        pltpu.SemaphoreType.DMA,
    ],
    compiler_params=pltpu.CompilerParams(
        needs_layout_passes=False, use_tc_tiling_on_sc=False),
)


@jax.jit
def kernel(obj_labels, rel_pair_idxs, prior_table):
    labels = obj_labels.astype(jnp.int32)
    pairs = rel_pair_idxs.astype(jnp.int32)
    heads = pairs[:, 0]
    tails = pairs[:, 1]
    table64 = jnp.pad(
        prior_table.reshape(NUM_OBJ_CLS * NUM_OBJ_CLS, NUM_REL_CLS),
        ((0, 0), (0, TPAD - NUM_REL_CLS)))
    oh_flat, rel64 = _sc_all(labels, heads, tails, table64)
    return (oh_flat.reshape(NUM_OBJS, NUM_OBJ_CLS), rel64[:, :NUM_REL_CLS])

# --- scband reference (transcript-rebuilt; emitter-appended) ---
"""Pipeline reference for scband-kgprior-predictor-39625368273220 (READ-ONLY COPY).

The authoritative reference and input builder live on the scoring server;
editing this copy changes nothing except your own understanding.
"""

import jax, jax.numpy as jnp
import numpy as np

NUM_OBJ_CLS = 151
NUM_REL_CLS = 51
NUM_OBJS = 4096
NUM_RELS = 65536


def setup_inputs(seed: int = 0) -> dict:
    key = jax.random.key(seed)
    k1, k2, k3 = jax.random.split(key, 3)
    # predicted object labels per RoI (flattened across images in the batch)
    obj_labels = jax.random.randint(k1, (NUM_OBJS,), 0, NUM_OBJ_CLS)
    # (num_rel, 2) subject/object indices into the RoI list
    rel_pair_idxs = jax.random.randint(k2, (NUM_RELS, 2), 0, NUM_OBJS)
    # dense materialization of head2tail2vector: prior predicate distribution
    # for every (head_label, tail_label) pair, default 0.0 where no KG entry
    prior_table = jax.random.uniform(k3, (NUM_OBJ_CLS, NUM_OBJ_CLS, NUM_REL_CLS), dtype=jnp.float32)
    return {"obj_labels": obj_labels, "rel_pair_idxs": rel_pair_idxs, "prior_table": prior_table}


def reference(obj_labels, rel_pair_idxs, prior_table):
    # to_onehot + softmax over object classes (GT-box / training branch)
    obj_logits = jax.nn.one_hot(obj_labels, NUM_OBJ_CLS, dtype=jnp.float32) * 1000.0
    obj_dists = jax.nn.softmax(obj_logits, axis=1)
    # gather head/tail labels for every relation pair
    head_labels = jnp.take(obj_labels, rel_pair_idxs[:, 0], axis=0)
    tail_labels = jnp.take(obj_labels, rel_pair_idxs[:, 1], axis=0)
    # KG prior lookup: get_predicate_distribution for each (head, tail) pair,
    # vectorized as a 2-level gather into the dense prior table
    rel_dists = prior_table[head_labels, tail_labels]
    return (obj_dists, rel_dists)

if __name__ == "__main__":
    import jax
    _d = setup_inputs()
    print(jax.jit(kernel)(*tuple(_d.values())))

</pallas_src>

<mosaic_0001>
#map = affine_map<(d0, d1) -> (0)>
#map1 = affine_map<(d0, d1) -> (0, 0)>
module attributes {stable_mosaic.version = 14 : i64} {
  func.func @_sc_body(%arg0: i32, %arg1: i32, %arg2: memref<4096xi32, #tpu.memory_space<hbm>>, %arg3: memref<65536xi32, #tpu.memory_space<hbm>>, %arg4: memref<65536xi32, #tpu.memory_space<hbm>>, %arg5: memref<22801x64xf32, #tpu.memory_space<hbm>>, %arg6: memref<618496xf32, #tpu.memory_space<hbm>>, %arg7: memref<65536x64xf32, #tpu.memory_space<hbm>>, %arg8: memref<4096xi32, #tpu.memory_space<vmem>>, %arg9: memref<2048xi32, #tpu.memory_space<vmem>>, %arg10: memref<2048xi32, #tpu.memory_space<vmem>>, %arg11: memref<2048xi32, #tpu.memory_space<vmem>>, %arg12: memref<19328xf32, #tpu.memory_space<vmem>>, %arg13: memref<128x64xf32, #tpu.memory_space<vmem>>, %arg14: memref<128x64xf32, #tpu.memory_space<vmem>>, %arg15: memref<!tpu.dma_semaphore, #tpu.memory_space<semaphore_mem>>, %arg16: memref<!tpu.dma_semaphore, #tpu.memory_space<semaphore_mem>>, %arg17: memref<!tpu.dma_semaphore, #tpu.memory_space<semaphore_mem>>, %arg18: memref<!tpu.dma_semaphore, #tpu.memory_space<semaphore_mem>>) attributes {dimension_semantics = [#tpu.dimension_semantics<core_parallel>, #tpu.dimension_semantics<subcore_parallel>], iteration_bounds = array<i64: 2, 16>, scalar_prefetch = 0 : i64, scratch_operands = 11 : i64, tpu.core_type = #tpu.core_type<sc_vector_subcore>, window_params = [{transform_indices = #map}, {transform_indices = #map}, {transform_indices = #map}, {transform_indices = #map1}, {transform_indices = #map}, {transform_indices = #map1}]} {
    %mul3A = arith.constant 2 : i32
    %mul3A_0 = arith.muli %arg1, %mul3A : i32
    %add3A = arith.addi %mul3A_0, %arg0 : i32
    %mul3A_1 = arith.constant 2048 : i32
    %mul3A_2 = arith.muli %add3A, %mul3A_1 : i32
    "tpu.region"() ({
      %run_scoped3A = tpu.sem_alloc : memref<!tpu.dma_semaphore, #tpu.memory_space<semaphore_mem>>
      tpu.enqueue_dma source(%arg2 : memref<4096xi32, #tpu.memory_space<hbm>>) target(%arg8 : memref<4096xi32, #tpu.memory_space<vmem>>) target_semaphore(%run_scoped3A : memref<!tpu.dma_semaphore, #tpu.memory_space<semaphore_mem>>)
      tpu.wait_dma2 semaphore(%run_scoped3A : memref<!tpu.dma_semaphore, #tpu.memory_space<semaphore_mem>>) src(%arg2 : memref<4096xi32, #tpu.memory_space<hbm>>) dst(%arg8 : memref<4096xi32, #tpu.memory_space<vmem>>)
      tpu.yield
    }) : () -> ()
    "tpu.region"() ({
      %run_scoped3A = tpu.sem_alloc : memref<!tpu.dma_semaphore, #tpu.memory_space<semaphore_mem>>
      %dma_start3A_512 = tpu.memref_slice %arg3[%mul3A_2] : memref<65536xi32, #tpu.memory_space<hbm>> -> memref<2048xi32, #tpu.memory_space<hbm>>
      %dma_start3A_513 = tpu.memref_slice %arg3[%mul3A_2] : memref<65536xi32, #tpu.memory_space<hbm>> -> memref<2048xi32, #tpu.memory_space<hbm>>
      tpu.enqueue_dma source(%dma_start3A_513 : memref<2048xi32, #tpu.memory_space<hbm>>) target(%arg9 : memref<2048xi32, #tpu.memory_space<vmem>>) target_semaphore(%run_scoped3A : memref<!tpu.dma_semaphore, #tpu.memory_space<semaphore_mem>>)
      %dma_wait3A_514 = tpu.memref_slice %arg3[%mul3A_2] : memref<65536xi32, #tpu.memory_space<hbm>> -> memref<2048xi32, #tpu.memory_space<hbm>>
      %dma_wait3A_515 = tpu.memref_slice %arg3[%mul3A_2] : memref<65536xi32, #tpu.memory_space<hbm>> -> memref<2048xi32, #tpu.memory_space<hbm>>
      tpu.wait_dma2 semaphore(%run_scoped3A : memref<!tpu.dma_semaphore, #tpu.memory_space<semaphore_mem>>) src(%dma_wait3A_515 : memref<2048xi32, #tpu.memory_space<hbm>>) dst(%arg9 : memref<2048xi32, #tpu.memory_space<vmem>>)
      tpu.yield
    }) : () -> ()
    "tpu.region"() ({
      %run_scoped3A = tpu.sem_alloc : memref<!tpu.dma_semaphore, #tpu.memory_space<semaphore_mem>>
      %dma_start3A_512 = tpu.memref_slice %arg4[%mul3A_2] : memref<65536xi32, #tpu.memory_space<hbm>> -> memref<2048xi32, #tpu.memory_space<hbm>>
      %dma_start3A_513 = tpu.memref_slice %arg4[%mul3A_2] : memref<65536xi32, #tpu.memory_space<hbm>> -> memref<2048xi32, #tpu.memory_space<hbm>>
      tpu.enqueue_dma source(%dma_start3A_513 : memref<2048xi32, #tpu.memory_space<hbm>>) target(%arg10 : memref<2048xi32, #tpu.memory_space<vmem>>) target_semaphore(%run_scoped3A : memref<!tpu.dma_semaphore, #tpu.memory_space<semaphore_mem>>)
      %dma_wait3A_514 = tpu.memref_slice %arg4[%mul3A_2] : memref<65536xi32, #tpu.memory_space<hbm>> -> memref<2048xi32, #tpu.memory_space<hbm>>
      %dma_wait3A_515 = tpu.memref_slice %arg4[%mul3A_2] : memref<65536xi32, #tpu.memory_space<hbm>> -> memref<2048xi32, #tpu.memory_space<hbm>>
      tpu.wait_dma2 semaphore(%run_scoped3A : memref<!tpu.dma_semaphore, #tpu.memory_space<semaphore_mem>>) src(%dma_wait3A_515 : memref<2048xi32, #tpu.memory_space<hbm>>) dst(%arg10 : memref<2048xi32, #tpu.memory_space<vmem>>)
      tpu.yield
    }) : () -> ()
    %iota3A = tpu.iota {dimensions = array<i32: 0>} : vector<16xi32>
    %broadcast_in_dim3A = arith.constant 0.000000e+00 : f32
    %broadcast_in_dim3A_3 = vector.broadcast %broadcast_in_dim3A : f32 to vector<16xf32>
    %broadcast_in_dim3A_4 = arith.constant 1.000000e+00 : f32
    %broadcast_in_dim3A_5 = vector.broadcast %broadcast_in_dim3A_4 : f32 to vector<16xf32>
    %scan3A = arith.constant 0 : i32
    %scan3A_6 = arith.constant 0 : i32
    %scan3A_7 = arith.constant 1208 : i32
    %scan3A_8 = arith.addi %scan3A_6, %scan3A_7 : i32
    %scan3A_9 = arith.constant 1 : i32
    scf.for %scan3A_512 = %scan3A_6 to %scan3A_8 step %scan3A_9  : i32 {
      %mul3A_513 = arith.constant 16 : i32
      %mul3A_514 = arith.muli %scan3A_512, %mul3A_513 : i32
      %swap3A = arith.index_cast %mul3A_514 : i32 to index
      %swap3A_515 = tpu.vector_load %arg12[%swap3A] {strides = array<i32>} : memref<19328xf32, #tpu.memory_space<vmem>>, vector<16xf32>,
      tpu.vector_store %arg12[%swap3A], %broadcast_in_dim3A_3 {strides = array<i32>} : memref<19328xf32, #tpu.memory_space<vmem>>, vector<16xf32>,
    }
    %scan3A_10 = arith.constant 1208 : i32
    %mul3A_11 = arith.constant 128 : i32
    %mul3A_12 = arith.muli %add3A, %mul3A_11 : i32
    %add3A_13 = arith.constant 0 : i32
    %add3A_14 = vector.broadcast %add3A_13 : i32 to vector<16xi32>
    %add3A_15 = arith.addi %add3A_14, %iota3A : vector<16xi32>
    %add3A_16 = vector.broadcast %mul3A_12 : i32 to vector<16xi32>
    %add3A_17 = arith.addi %add3A_16, %add3A_15 : vector<16xi32>
    %gather3A = tpu.vector_load_idx %arg8[%add3A_17] : memref<4096xi32, #tpu.memory_space<vmem>>[vector<16xi32>], vector<16xi32>,
    %mul3A_18 = arith.constant 151 : i32
    %mul3A_19 = vector.broadcast %mul3A_18 : i32 to vector<16xi32>
    %mul3A_20 = arith.muli %add3A_15, %mul3A_19 : vector<16xi32>
    %add3A_21 = arith.addi %mul3A_20, %gather3A : vector<16xi32>
    tpu.vector_store_idx %arg12[%add3A_21], %broadcast_in_dim3A_5 : memref<19328xf32, #tpu.memory_space<vmem>>[vector<16xi32>], vector<16xf32>,
    %add3A_22 = arith.constant 16 : i32
    %add3A_23 = vector.broadcast %add3A_22 : i32 to vector<16xi32>
    %add3A_24 = arith.addi %add3A_23, %iota3A : vector<16xi32>
    %add3A_25 = vector.broadcast %mul3A_12 : i32 to vector<16xi32>
    %add3A_26 = arith.addi %add3A_25, %add3A_24 : vector<16xi32>
    %gather3A_27 = tpu.vector_load_idx %arg8[%add3A_26] : memref<4096xi32, #tpu.memory_space<vmem>>[vector<16xi32>], vector<16xi32>,
    %mul3A_28 = arith.constant 151 : i32
    %mul3A_29 = vector.broadcast %mul3A_28 : i32 to vector<16xi32>
    %mul3A_30 = arith.muli %add3A_24, %mul3A_29 : vector<16xi32>
    %add3A_31 = arith.addi %mul3A_30, %gather3A_27 : vector<16xi32>
    tpu.vector_store_idx %arg12[%add3A_31], %broadcast_in_dim3A_5 : memref<19328xf32, #tpu.memory_space<vmem>>[vector<16xi32>], vector<16xf32>,
    %add3A_32 = arith.constant 32 : i32
    %add3A_33 = vector.broadcast %add3A_32 : i32 to vector<16xi32>
    %add3A_34 = arith.addi %add3A_33, %iota3A : vector<16xi32>
    %add3A_35 = vector.broadcast %mul3A_12 : i32 to vector<16xi32>
    %add3A_36 = arith.addi %add3A_35, %add3A_34 : vector<16xi32>
    %gather3A_37 = tpu.vector_load_idx %arg8[%add3A_36] : memref<4096xi32, #tpu.memory_space<vmem>>[vector<16xi32>], vector<16xi32>,
    %mul3A_38 = arith.constant 151 : i32
    %mul3A_39 = vector.broadcast %mul3A_38 : i32 to vector<16xi32>
    %mul3A_40 = arith.muli %add3A_34, %mul3A_39 : vector<16xi32>
    %add3A_41 = arith.addi %mul3A_40, %gather3A_37 : vector<16xi32>
    tpu.vector_store_idx %arg12[%add3A_41], %broadcast_in_dim3A_5 : memref<19328xf32, #tpu.memory_space<vmem>>[vector<16xi32>], vector<16xf32>,
    %add3A_42 = arith.constant 48 : i32
    %add3A_43 = vector.broadcast %add3A_42 : i32 to vector<16xi32>
    %add3A_44 = arith.addi %add3A_43, %iota3A : vector<16xi32>
    %add3A_45 = vector.broadcast %mul3A_12 : i32 to vector<16xi32>
    %add3A_46 = arith.addi %add3A_45, %add3A_44 : vector<16xi32>
    %gather3A_47 = tpu.vector_load_idx %arg8[%add3A_46] : memref<4096xi32, #tpu.memory_space<vmem>>[vector<16xi32>], vector<16xi32>,
    %mul3A_48 = arith.constant 151 : i32
    %mul3A_49 = vector.broadcast %mul3A_48 : i32 to vector<16xi32>
    %mul3A_50 = arith.muli %add3A_44, %mul3A_49 : vector<16xi32>
    %add3A_51 = arith.addi %mul3A_50, %gather3A_47 : vector<16xi32>
    tpu.vector_store_idx %arg12[%add3A_51], %broadcast_in_dim3A_5 : memref<19328xf32, #tpu.memory_space<vmem>>[vector<16xi32>], vector<16xf32>,
    %add3A_52 = arith.constant 64 : i32
    %add3A_53 = vector.broadcast %add3A_52 : i32 to vector<16xi32>
    %add3A_54 = arith.addi %add3A_53, %iota3A : vector<16xi32>
    %add3A_55 = vector.broadcast %mul3A_12 : i32 to vector<16xi32>
    %add3A_56 = arith.addi %add3A_55, %add3A_54 : vector<16xi32>
    %gather3A_57 = tpu.vector_load_idx %arg8[%add3A_56] : memref<4096xi32, #tpu.memory_space<vmem>>[vector<16xi32>], vector<16xi32>,
    %mul3A_58 = arith.constant 151 : i32
    %mul3A_59 = vector.broadcast %mul3A_58 : i32 to vector<16xi32>
    %mul3A_60 = arith.muli %add3A_54, %mul3A_59 : vector<16xi32>
    %add3A_61 = arith.addi %mul3A_60, %gather3A_57 : vector<16xi32>
    tpu.vector_store_idx %arg12[%add3A_61], %broadcast_in_dim3A_5 : memref<19328xf32, #tpu.memory_space<vmem>>[vector<16xi32>], vector<16xf32>,
    %add3A_62 = arith.constant 80 : i32
    %add3A_63 = vector.broadcast %add3A_62 : i32 to vector<16xi32>
    %add3A_64 = arith.addi %add3A_63, %iota3A : vector<16xi32>
    %add3A_65 = vector.broadcast %mul3A_12 : i32 to vector<16xi32>
    %add3A_66 = arith.addi %add3A_65, %add3A_64 : vector<16xi32>
    %gather3A_67 = tpu.vector_load_idx %arg8[%add3A_66] : memref<4096xi32, #tpu.memory_space<vmem>>[vector<16xi32>], vector<16xi32>,
    %mul3A_68 = arith.constant 151 : i32
    %mul3A_69 = vector.broadcast %mul3A_68 : i32 to vector<16xi32>
    %mul3A_70 = arith.muli %add3A_64, %mul3A_69 : vector<16xi32>
    %add3A_71 = arith.addi %mul3A_70, %gather3A_67 : vector<16xi32>
    tpu.vector_store_idx %arg12[%add3A_71], %broadcast_in_dim3A_5 : memref<19328xf32, #tpu.memory_space<vmem>>[vector<16xi32>], vector<16xf32>,
    %add3A_72 = arith.constant 96 : i32
    %add3A_73 = vector.broadcast %add3A_72 : i32 to vector<16xi32>
    %add3A_74 = arith.addi %add3A_73, %iota3A : vector<16xi32>
    %add3A_75 = vector.broadcast %mul3A_12 : i32 to vector<16xi32>
    %add3A_76 = arith.addi %add3A_75, %add3A_74 : vector<16xi32>
    %gather3A_77 = tpu.vector_load_idx %arg8[%add3A_76] : memref<4096xi32, #tpu.memory_space<vmem>>[vector<16xi32>], vector<16xi32>,
    %mul3A_78 = arith.constant 151 : i32
    %mul3A_79 = vector.broadcast %mul3A_78 : i32 to vector<16xi32>
    %mul3A_80 = arith.muli %add3A_74, %mul3A_79 : vector<16xi32>
    %add3A_81 = arith.addi %mul3A_80, %gather3A_77 : vector<16xi32>
    tpu.vector_store_idx %arg12[%add3A_81], %broadcast_in_dim3A_5 : memref<19328xf32, #tpu.memory_space<vmem>>[vector<16xi32>], vector<16xf32>,
    %add3A_82 = arith.constant 112 : i32
    %add3A_83 = vector.broadcast %add3A_82 : i32 to vector<16xi32>
    %add3A_84 = arith.addi %add3A_83, %iota3A : vector<16xi32>
    %add3A_85 = vector.broadcast %mul3A_12 : i32 to vector<16xi32>
    %add3A_86 = arith.addi %add3A_85, %add3A_84 : vector<16xi32>
    %gather3A_87 = tpu.vector_load_idx %arg8[%add3A_86] : memref<4096xi32, #tpu.memory_space<vmem>>[vector<16xi32>], vector<16xi32>,
    %mul3A_88 = arith.constant 151 : i32
    %mul3A_89 = vector.broadcast %mul3A_88 : i32 to vector<16xi32>
    %mul3A_90 = arith.muli %add3A_84, %mul3A_89 : vector<16xi32>
    %add3A_91 = arith.addi %mul3A_90, %gather3A_87 : vector<16xi32>
    tpu.vector_store_idx %arg12[%add3A_91], %broadcast_in_dim3A_5 : memref<19328xf32, #tpu.memory_space<vmem>>[vector<16xi32>], vector<16xf32>,
    %mul3A_92 = arith.constant 19328 : i32
    %mul3A_93 = arith.muli %add3A, %mul3A_92 : i32
    %dma_start3A = tpu.memref_slice %arg6[%mul3A_93] : memref<618496xf32, #tpu.memory_space<hbm>> -> memref<19328xf32, #tpu.memory_space<hbm>>
    %dma_start3A_94 = tpu.memref_slice %arg6[%mul3A_93] : memref<618496xf32, #tpu.memory_space<hbm>> -> memref<19328xf32, #tpu.memory_space<hbm>>
    tpu.enqueue_dma source(%arg12 : memref<19328xf32, #tpu.memory_space<vmem>>) target(%dma_start3A_94 : memref<19328xf32, #tpu.memory_space<hbm>>) target_semaphore(%arg18 : memref<!tpu.dma_semaphore, #tpu.memory_space<semaphore_mem>>)
    %scan3A_95 = arith.constant 0 : i32
    %scan3A_96 = arith.constant 0 : i32
    %scan3A_97 = arith.constant 8 : i32
    %scan3A_98 = arith.addi %scan3A_96, %scan3A_97 : i32
    %scan3A_99 = arith.constant 1 : i32
    scf.for %scan3A_512 = %scan3A_96 to %scan3A_98 step %scan3A_99  : i32 {
      %mul3A_513 = arith.constant 16 : i32
      %mul3A_514 = arith.muli %scan3A_512, %mul3A_513 : i32
      %add3A_515 = arith.constant 0 : i32
      %add3A_516 = arith.addi %add3A_515, %mul3A_514 : i32
      %add3A_517 = vector.broadcast %add3A_516 : i32 to vector<16xi32>
      %add3A_518 = arith.addi %add3A_517, %iota3A : vector<16xi32>
      %gather3A_519 = tpu.vector_load_idx %arg9[%add3A_518] : memref<2048xi32, #tpu.memory_space<vmem>>[vector<16xi32>], vector<16xi32>,
      %gather3A_520 = tpu.vector_load_idx %arg10[%add3A_518] : memref<2048xi32, #tpu.memory_space<vmem>>[vector<16xi32>], vector<16xi32>,
      %gather3A_521 = tpu.vector_load_idx %arg8[%gather3A_519] : memref<4096xi32, #tpu.memory_space<vmem>>[vector<16xi32>], vector<16xi32>,
      %gather3A_522 = tpu.vector_load_idx %arg8[%gather3A_520] : memref<4096xi32, #tpu.memory_space<vmem>>[vector<16xi32>], vector<16xi32>,
      %mul3A_523 = arith.constant 151 : i32
      %mul3A_524 = vector.broadcast %mul3A_523 : i32 to vector<16xi32>
      %mul3A_525 = arith.muli %gather3A_521, %mul3A_524 : vector<16xi32>
      %add3A_526 = arith.addi %mul3A_525, %gather3A_522 : vector<16xi32>
      %mul3A_527 = arith.constant 16 : i32
      %mul3A_528 = arith.muli %scan3A_512, %mul3A_527 : i32
      %add3A_529 = arith.constant 0 : i32
      %add3A_530 = arith.addi %add3A_529, %mul3A_528 : i32
      %swap3A = arith.index_cast %add3A_530 : i32 to index
      %swap3A_531 = tpu.vector_load %arg11[%swap3A] {strides = array<i32>} : memref<2048xi32, #tpu.memory_space<vmem>>, vector<16xi32>,
      tpu.vector_store %arg11[%swap3A], %add3A_526 {strides = array<i32>} : memref<2048xi32, #tpu.memory_space<vmem>>, vector<16xi32>,
    }
    %scan3A_100 = arith.constant 8 : i32
    %dma_start3A_101 = arith.constant 0 : i32
    %dma_start3A_102 = tpu.memref_slice %arg11[%dma_start3A_101] : memref<2048xi32, #tpu.memory_space<vmem>> -> memref<128xi32, #tpu.memory_space<vmem>>
    %dma_start3A_103 = arith.constant 0 : i32
    %dma_start3A_104 = arith.constant 0 : i32
    %dma_start3A_105 = tpu.memref_slice %arg5[%dma_start3A_103, %dma_start3A_104] : memref<22801x64xf32, #tpu.memory_space<hbm>> -> memref<22801x64xf32, #tpu.memory_space<hbm>>
    tpu.enqueue_indirect_dma source(%dma_start3A_105 : memref<22801x64xf32, #tpu.memory_space<hbm>>) target(%arg13 : memref<128x64xf32, #tpu.memory_space<vmem>>) offsets(%dma_start3A_102 : memref<128xi32, #tpu.memory_space<vmem>>) semaphore(%arg15 : memref<!tpu.dma_semaphore, #tpu.memory_space<semaphore_mem>>)
    %scan3A_106 = arith.constant 0 : i32
    %scan3A_107 = arith.constant 0 : i32
    %scan3A_108 = arith.constant 8 : i32
    %scan3A_109 = arith.addi %scan3A_107, %scan3A_108 : i32
    %scan3A_110 = arith.constant 1 : i32
    scf.for %scan3A_512 = %scan3A_107 to %scan3A_109 step %scan3A_110  : i32 {
      %mul3A_513 = arith.constant 16 : i32
      %mul3A_514 = arith.muli %scan3A_512, %mul3A_513 : i32
      %add3A_515 = arith.constant 128 : i32
      %add3A_516 = arith.addi %add3A_515, %mul3A_514 : i32
      %add3A_517 = vector.broadcast %add3A_516 : i32 to vector<16xi32>
      %add3A_518 = arith.addi %add3A_517, %iota3A : vector<16xi32>
      %gather3A_519 = tpu.vector_load_idx %arg9[%add3A_518] : memref<2048xi32, #tpu.memory_space<vmem>>[vector<16xi32>], vector<16xi32>,
      %gather3A_520 = tpu.vector_load_idx %arg10[%add3A_518] : memref<2048xi32, #tpu.memory_space<vmem>>[vector<16xi32>], vector<16xi32>,
      %gather3A_521 = tpu.vector_load_idx %arg8[%gather3A_519] : memref<4096xi32, #tpu.memory_space<vmem>>[vector<16xi32>], vector<16xi32>,
      %gather3A_522 = tpu.vector_load_idx %arg8[%gather3A_520] : memref<4096xi32, #tpu.memory_space<vmem>>[vector<16xi32>], vector<16xi32>,
      %mul3A_523 = arith.constant 151 : i32
      %mul3A_524 = vector.broadcast %mul3A_523 : i32 to vector<16xi32>
      %mul3A_525 = arith.muli %gather3A_521, %mul3A_524 : vector<16xi32>
      %add3A_526 = arith.addi %mul3A_525, %gather3A_522 : vector<16xi32>
      %mul3A_527 = arith.constant 16 : i32
      %mul3A_528 = arith.muli %scan3A_512, %mul3A_527 : i32
      %add3A_529 = arith.constant 128 : i32
      %add3A_530 = arith.addi %add3A_529, %mul3A_528 : i32
      %swap3A = arith.index_cast %add3A_530 : i32 to index
      %swap3A_531 = tpu.vector_load %arg11[%swap3A] {strides = array<i32>} : memref<2048xi32, #tpu.memory_space<vmem>>, vector<16xi32>,
      tpu.vector_store %arg11[%swap3A], %add3A_526 {strides = array<i32>} : memref<2048xi32, #tpu.memory_space<vmem>>, vector<16xi32>,
    }
    %scan3A_111 = arith.constant 8 : i32
    %dma_wait3A = arith.constant 0 : i32
    %dma_wait3A_112 = tpu.memref_slice %arg11[%dma_wait3A] : memref<2048xi32, #tpu.memory_space<vmem>> -> memref<128xi32, #tpu.memory_space<vmem>>
    %dma_wait3A_113 = arith.constant 0 : i32
    %dma_wait3A_114 = arith.constant 0 : i32
    %dma_wait3A_115 = tpu.memref_slice %arg5[%dma_wait3A_113, %dma_wait3A_114] : memref<22801x64xf32, #tpu.memory_space<hbm>> -> memref<22801x64xf32, #tpu.memory_space<hbm>>
    tpu.wait_indirect_dma semaphore(%arg15 : memref<!tpu.dma_semaphore, #tpu.memory_space<semaphore_mem>>) src(%dma_wait3A_115 : memref<22801x64xf32, #tpu.memory_space<hbm>>) dst(%arg13 : memref<128x64xf32, #tpu.memory_space<vmem>>)
    %add3A_116 = arith.constant 0 : i32
    %add3A_117 = arith.addi %mul3A_2, %add3A_116 : i32
    %dma_start3A_118 = arith.constant 0 : i32
    %dma_start3A_119 = tpu.memref_slice %arg7[%add3A_117, %dma_start3A_118] : memref<65536x64xf32, #tpu.memory_space<hbm>> -> memref<128x64xf32, #tpu.memory_space<hbm>>
    %dma_start3A_120 = arith.constant 0 : i32
    %dma_start3A_121 = tpu.memref_slice %arg7[%add3A_117, %dma_start3A_120] : memref<65536x64xf32, #tpu.memory_space<hbm>> -> memref<128x64xf32, #tpu.memory_space<hbm>>
    tpu.enqueue_dma source(%arg13 : memref<128x64xf32, #tpu.memory_space<vmem>>) target(%dma_start3A_121 : memref<128x64xf32, #tpu.memory_space<hbm>>) target_semaphore(%arg16 : memref<!tpu.dma_semaphore, #tpu.memory_space<semaphore_mem>>)
    %dma_start3A_122 = arith.constant 128 : i32
    %dma_start3A_123 = tpu.memref_slice %arg11[%dma_start3A_122] : memref<2048xi32, #tpu.memory_space<vmem>> -> memref<128xi32, #tpu.memory_space<vmem>>
    %dma_start3A_124 = arith.constant 0 : i32
    %dma_start3A_125 = arith.constant 0 : i32
    %dma_start3A_126 = tpu.memref_slice %arg5[%dma_start3A_124, %dma_start3A_125] : memref<22801x64xf32, #tpu.memory_space<hbm>> -> memref<22801x64xf32, #tpu.memory_space<hbm>>
    tpu.enqueue_indirect_dma source(%dma_start3A_126 : memref<22801x64xf32, #tpu.memory_space<hbm>>) target(%arg14 : memref<128x64xf32, #tpu.memory_space<vmem>>) offsets(%dma_start3A_123 : memref<128xi32, #tpu.memory_space<vmem>>) semaphore(%arg15 : memref<!tpu.dma_semaphore, #tpu.memory_space<semaphore_mem>>)
    %scan3A_127 = arith.constant 0 : i32
    %scan3A_128 = arith.constant 0 : i32
    %scan3A_129 = arith.constant 8 : i32
    %scan3A_130 = arith.addi %scan3A_128, %scan3A_129 : i32
    %scan3A_131 = arith.constant 1 : i32
    scf.for %scan3A_512 = %scan3A_128 to %scan3A_130 step %scan3A_131  : i32 {
      %mul3A_513 = arith.constant 16 : i32
      %mul3A_514 = arith.muli %scan3A_512, %mul3A_513 : i32
      %add3A_515 = arith.constant 256 : i32
      %add3A_516 = arith.addi %add3A_515, %mul3A_514 : i32
      %add3A_517 = vector.broadcast %add3A_516 : i32 to vector<16xi32>
      %add3A_518 = arith.addi %add3A_517, %iota3A : vector<16xi32>
      %gather3A_519 = tpu.vector_load_idx %arg9[%add3A_518] : memref<2048xi32, #tpu.memory_space<vmem>>[vector<16xi32>], vector<16xi32>,
      %gather3A_520 = tpu.vector_load_idx %arg10[%add3A_518] : memref<2048xi32, #tpu.memory_space<vmem>>[vector<16xi32>], vector<16xi32>,
      %gather3A_521 = tpu.vector_load_idx %arg8[%gather3A_519] : memref<4096xi32, #tpu.memory_space<vmem>>[vector<16xi32>], vector<16xi32>,
      %gather3A_522 = tpu.vector_load_idx %arg8[%gather3A_520] : memref<4096xi32, #tpu.memory_space<vmem>>[vector<16xi32>], vector<16xi32>,
      %mul3A_523 = arith.constant 151 : i32
      %mul3A_524 = vector.broadcast %mul3A_523 : i32 to vector<16xi32>
      %mul3A_525 = arith.muli %gather3A_521, %mul3A_524 : vector<16xi32>
      %add3A_526 = arith.addi %mul3A_525, %gather3A_522 : vector<16xi32>
      %mul3A_527 = arith.constant 16 : i32
      %mul3A_528 = arith.muli %scan3A_512, %mul3A_527 : i32
      %add3A_529 = arith.constant 256 : i32
      %add3A_530 = arith.addi %add3A_529, %mul3A_528 : i32
      %swap3A = arith.index_cast %add3A_530 : i32 to index
      %swap3A_531 = tpu.vector_load %arg11[%swap3A] {strides = array<i32>} : memref<2048xi32, #tpu.memory_space<vmem>>, vector<16xi32>,
      tpu.vector_store %arg11[%swap3A], %add3A_526 {strides = array<i32>} : memref<2048xi32, #tpu.memory_space<vmem>>, vector<16xi32>,
    }
    %scan3A_132 = arith.constant 8 : i32
    %dma_wait3A_133 = arith.constant 128 : i32
    %dma_wait3A_134 = tpu.memref_slice %arg11[%dma_wait3A_133] : memref<2048xi32, #tpu.memory_space<vmem>> -> memref<128xi32, #tpu.memory_space<vmem>>
    %dma_wait3A_135 = arith.constant 0 : i32
    %dma_wait3A_136 = arith.constant 0 : i32
    %dma_wait3A_137 = tpu.memref_slice %arg5[%dma_wait3A_135, %dma_wait3A_136] : memref<22801x64xf32, #tpu.memory_space<hbm>> -> memref<22801x64xf32, #tpu.memory_space<hbm>>
    tpu.wait_indirect_dma semaphore(%arg15 : memref<!tpu.dma_semaphore, #tpu.memory_space<semaphore_mem>>) src(%dma_wait3A_137 : memref<22801x64xf32, #tpu.memory_space<hbm>>) dst(%arg14 : memref<128x64xf32, #tpu.memory_space<vmem>>)
    %add3A_138 = arith.constant 128 : i32
    %add3A_139 = arith.addi %mul3A_2, %add3A_138 : i32
    %dma_start3A_140 = arith.constant 0 : i32
    %dma_start3A_141 = tpu.memref_slice %arg7[%add3A_139, %dma_start3A_140] : memref<65536x64xf32, #tpu.memory_space<hbm>> -> memref<128x64xf32, #tpu.memory_space<hbm>>
    %dma_start3A_142 = arith.constant 0 : i32
    %dma_start3A_143 = tpu.memref_slice %arg7[%add3A_139, %dma_start3A_142] : memref<65536x64xf32, #tpu.memory_space<hbm>> -> memref<128x64xf32, #tpu.memory_space<hbm>>
    tpu.enqueue_dma source(%arg14 : memref<128x64xf32, #tpu.memory_space<vmem>>) target(%dma_start3A_143 : memref<128x64xf32, #tpu.memory_space<hbm>>) target_semaphore(%arg17 : memref<!tpu.dma_semaphore, #tpu.memory_space<semaphore_mem>>)
    %dma_wait3A_144 = arith.constant 0 : i32
    %dma_wait3A_145 = tpu.memref_slice %arg7[%add3A_117, %dma_wait3A_144] : memref<65536x64xf32, #tpu.memory_space<hbm>> -> memref<128x64xf32, #tpu.memory_space<hbm>>
    %dma_wait3A_146 = arith.constant 0 : i32
    %dma_wait3A_147 = tpu.memref_slice %arg7[%add3A_117, %dma_wait3A_146] : memref<65536x64xf32, #tpu.memory_space<hbm>> -> memref<128x64xf32, #tpu.memory_space<hbm>>
    tpu.wait_dma2 semaphore(%arg16 : memref<!tpu.dma_semaphore, #tpu.memory_space<semaphore_mem>>) src(%arg13 : memref<128x64xf32, #tpu.memory_space<vmem>>) dst(%dma_wait3A_147 : memref<128x64xf32, #tpu.memory_space<hbm>>)
    %dma_start3A_148 = arith.constant 256 : i32
    %dma_start3A_149 = tpu.memref_slice %arg11[%dma_start3A_148] : memref<2048xi32, #tpu.memory_space<vmem>> -> memref<128xi32, #tpu.memory_space<vmem>>
    %dma_start3A_150 = arith.constant 0 : i32
    %dma_start3A_151 = arith.constant 0 : i32
    %dma_start3A_152 = tpu.memref_slice %arg5[%dma_start3A_150, %dma_start3A_151] : memref<22801x64xf32, #tpu.memory_space<hbm>> -> memref<22801x64xf32, #tpu.memory_space<hbm>>
    tpu.enqueue_indirect_dma source(%dma_start3A_152 : memref<22801x64xf32, #tpu.memory_space<hbm>>) target(%arg13 : memref<128x64xf32, #tpu.memory_space<vmem>>) offsets(%dma_start3A_149 : memref<128xi32, #tpu.memory_space<vmem>>) semaphore(%arg15 : memref<!tpu.dma_semaphore, #tpu.memory_space<semaphore_mem>>)
    %scan3A_153 = arith.constant 0 : i32
    %scan3A_154 = arith.constant 0 : i32
    %scan3A_155 = arith.constant 8 : i32
    %scan3A_156 = arith.addi %scan3A_154, %scan3A_155 : i32
    %scan3A_157 = arith.constant 1 : i32
    scf.for %scan3A_512 = %scan3A_154 to %scan3A_156 step %scan3A_157  : i32 {
      %mul3A_513 = arith.constant 16 : i32
      %mul3A_514 = arith.muli %scan3A_512, %mul3A_513 : i32
      %add3A_515 = arith.constant 384 : i32
      %add3A_516 = arith.addi %add3A_515, %mul3A_514 : i32
      %add3A_517 = vector.broadcast %add3A_516 : i32 to vector<16xi32>
      %add3A_518 = arith.addi %add3A_517, %iota3A : vector<16xi32>
      %gather3A_519 = tpu.vector_load_idx %arg9[%add3A_518] : memref<2048xi32, #tpu.memory_space<vmem>>[vector<16xi32>], vector<16xi32>,
      %gather3A_520 = tpu.vector_load_idx %arg10[%add3A_518] : memref<2048xi32, #tpu.memory_space<vmem>>[vector<16xi32>], vector<16xi32>,
      %gather3A_521 = tpu.vector_load_idx %arg8[%gather3A_519] : memref<4096xi32, #tpu.memory_space<vmem>>[vector<16xi32>], vector<16xi32>,
      %gather3A_522 = tpu.vector_load_idx %arg8[%gather3A_520] : memref<4096xi32, #tpu.memory_space<vmem>>[vector<16xi32>], vector<16xi32>,
      %mul3A_523 = arith.constant 151 : i32
      %mul3A_524 = vector.broadcast %mul3A_523 : i32 to vector<16xi32>
      %mul3A_525 = arith.muli %gather3A_521, %mul3A_524 : vector<16xi32>
      %add3A_526 = arith.addi %mul3A_525, %gather3A_522 : vector<16xi32>
      %mul3A_527 = arith.constant 16 : i32
      %mul3A_528 = arith.muli %scan3A_512, %mul3A_527 : i32
      %add3A_529 = arith.constant 384 : i32
      %add3A_530 = arith.addi %add3A_529, %mul3A_528 : i32
      %swap3A = arith.index_cast %add3A_530 : i32 to index
      %swap3A_531 = tpu.vector_load %arg11[%swap3A] {strides = array<i32>} : memref<2048xi32, #tpu.memory_space<vmem>>, vector<16xi32>,
      tpu.vector_store %arg11[%swap3A], %add3A_526 {strides = array<i32>} : memref<2048xi32, #tpu.memory_space<vmem>>, vector<16xi32>,
    }
    %scan3A_158 = arith.constant 8 : i32
    %dma_wait3A_159 = arith.constant 256 : i32
    %dma_wait3A_160 = tpu.memref_slice %arg11[%dma_wait3A_159] : memref<2048xi32, #tpu.memory_space<vmem>> -> memref<128xi32, #tpu.memory_space<vmem>>
    %dma_wait3A_161 = arith.constant 0 : i32
    %dma_wait3A_162 = arith.constant 0 : i32
    %dma_wait3A_163 = tpu.memref_slice %arg5[%dma_wait3A_161, %dma_wait3A_162] : memref<22801x64xf32, #tpu.memory_space<hbm>> -> memref<22801x64xf32, #tpu.memory_space<hbm>>
    tpu.wait_indirect_dma semaphore(%arg15 : memref<!tpu.dma_semaphore, #tpu.memory_space<semaphore_mem>>) src(%dma_wait3A_163 : memref<22801x64xf32, #tpu.memory_space<hbm>>) dst(%arg13 : memref<128x64xf32, #tpu.memory_space<vmem>>)
    %add3A_164 = arith.constant 256 : i32
    %add3A_165 = arith.addi %mul3A_2, %add3A_164 : i32
    %dma_start3A_166 = arith.constant 0 : i32
    %dma_start3A_167 = tpu.memref_slice %arg7[%add3A_165, %dma_start3A_166] : memref<65536x64xf32, #tpu.memory_space<hbm>> -> memref<128x64xf32, #tpu.memory_space<hbm>>
    %dma_start3A_168 = arith.constant 0 : i32
    %dma_start3A_169 = tpu.memref_slice %arg7[%add3A_165, %dma_start3A_168] : memref<65536x64xf32, #tpu.memory_space<hbm>> -> memref<128x64xf32, #tpu.memory_space<hbm>>
    tpu.enqueue_dma source(%arg13 : memref<128x64xf32, #tpu.memory_space<vmem>>) target(%dma_start3A_169 : memref<128x64xf32, #tpu.memory_space<hbm>>) target_semaphore(%arg16 : memref<!tpu.dma_semaphore, #tpu.memory_space<semaphore_mem>>)
    %dma_wait3A_170 = arith.constant 0 : i32
    %dma_wait3A_171 = tpu.memref_slice %arg7[%add3A_139, %dma_wait3A_170] : memref<65536x64xf32, #tpu.memory_space<hbm>> -> memref<128x64xf32, #tpu.memory_space<hbm>>
    %dma_wait3A_172 = arith.constant 0 : i32
    %dma_wait3A_173 = tpu.memref_slice %arg7[%add3A_139, %dma_wait3A_172] : memref<65536x64xf32, #tpu.memory_space<hbm>> -> memref<128x64xf32, #tpu.memory_space<hbm>>
    tpu.wait_dma2 semaphore(%arg17 : memref<!tpu.dma_semaphore, #tpu.memory_space<semaphore_mem>>) src(%arg14 : memref<128x64xf32, #tpu.memory_space<vmem>>) dst(%dma_wait3A_173 : memref<128x64xf32, #tpu.memory_space<hbm>>)
    %dma_start3A_174 = arith.constant 384 : i32
    %dma_start3A_175 = tpu.memref_slice %arg11[%dma_start3A_174] : memref<2048xi32, #tpu.memory_space<vmem>> -> memref<128xi32, #tpu.memory_space<vmem>>
    %dma_start3A_176 = arith.constant 0 : i32
    %dma_start3A_177 = arith.constant 0 : i32
    %dma_start3A_178 = tpu.memref_slice %arg5[%dma_start3A_176, %dma_start3A_177] : memref<22801x64xf32, #tpu.memory_space<hbm>> -> memref<22801x64xf32, #tpu.memory_space<hbm>>
    tpu.enqueue_indirect_dma source(%dma_start3A_178 : memref<22801x64xf32, #tpu.memory_space<hbm>>) target(%arg14 : memref<128x64xf32, #tpu.memory_space<vmem>>) offsets(%dma_start3A_175 : memref<128xi32, #tpu.memory_space<vmem>>) semaphore(%arg15 : memref<!tpu.dma_semaphore, #tpu.memory_space<semaphore_mem>>)
    %scan3A_179 = arith.constant 0 : i32
    %scan3A_180 = arith.constant 0 : i32
    %scan3A_181 = arith.constant 8 : i32
    %scan3A_182 = arith.addi %scan3A_180, %scan3A_181 : i32
    %scan3A_183 = arith.constant 1 : i32
    scf.for %scan3A_512 = %scan3A_180 to %scan3A_182 step %scan3A_183  : i32 {
      %mul3A_513 = arith.constant 16 : i32
      %mul3A_514 = arith.muli %scan3A_512, %mul3A_513 : i32
      %add3A_515 = arith.constant 512 : i32
      %add3A_516 = arith.addi %add3A_515, %mul3A_514 : i32
      %add3A_517 = vector.broadcast %add3A_516 : i32 to vector<16xi32>
      %add3A_518 = arith.addi %add3A_517, %iota3A : vector<16xi32>
      %gather3A_519 = tpu.vector_load_idx %arg9[%add3A_518] : memref<2048xi32, #tpu.memory_space<vmem>>[vector<16xi32>], vector<16xi32>,
      %gather3A_520 = tpu.vector_load_idx %arg10[%add3A_518] : memref<2048xi32, #tpu.memory_space<vmem>>[vector<16xi32>], vector<16xi32>,
      %gather3A_521 = tpu.vector_load_idx %arg8[%gather3A_519] : memref<4096xi32, #tpu.memory_space<vmem>>[vector<16xi32>], vector<16xi32>,
      %gather3A_522 = tpu.vector_load_idx %arg8[%gather3A_520] : memref<4096xi32, #tpu.memory_space<vmem>>[vector<16xi32>], vector<16xi32>,
      %mul3A_523 = arith.constant 151 : i32
      %mul3A_524 = vector.broadcast %mul3A_523 : i32 to vector<16xi32>
      %mul3A_525 = arith.muli %gather3A_521, %mul3A_524 : vector<16xi32>
      %add3A_526 = arith.addi %mul3A_525, %gather3A_522 : vector<16xi32>
      %mul3A_527 = arith.constant 16 : i32
      %mul3A_528 = arith.muli %scan3A_512, %mul3A_527 : i32
      %add3A_529 = arith.constant 512 : i32
      %add3A_530 = arith.addi %add3A_529, %mul3A_528 : i32
      %swap3A = arith.index_cast %add3A_530 : i32 to index
      %swap3A_531 = tpu.vector_load %arg11[%swap3A] {strides = array<i32>} : memref<2048xi32, #tpu.memory_space<vmem>>, vector<16xi32>,
      tpu.vector_store %arg11[%swap3A], %add3A_526 {strides = array<i32>} : memref<2048xi32, #tpu.memory_space<vmem>>, vector<16xi32>,
    }
    %scan3A_184 = arith.constant 8 : i32
    %dma_wait3A_185 = arith.constant 384 : i32
    %dma_wait3A_186 = tpu.memref_slice %arg11[%dma_wait3A_185] : memref<2048xi32, #tpu.memory_space<vmem>> -> memref<128xi32, #tpu.memory_space<vmem>>
    %dma_wait3A_187 = arith.constant 0 : i32
    %dma_wait3A_188 = arith.constant 0 : i32
    %dma_wait3A_189 = tpu.memref_slice %arg5[%dma_wait3A_187, %dma_wait3A_188] : memref<22801x64xf32, #tpu.memory_space<hbm>> -> memref<22801x64xf32, #tpu.memory_space<hbm>>
    tpu.wait_indirect_dma semaphore(%arg15 : memref<!tpu.dma_semaphore, #tpu.memory_space<semaphore_mem>>) src(%dma_wait3A_189 : memref<22801x64xf32, #tpu.memory_space<hbm>>) dst(%arg14 : memref<128x64xf32, #tpu.memory_space<vmem>>)
    %add3A_190 = arith.constant 384 : i32
    %add3A_191 = arith.addi %mul3A_2, %add3A_190 : i32
    %dma_start3A_192 = arith.constant 0 : i32
    %dma_start3A_193 = tpu.memref_slice %arg7[%add3A_191, %dma_start3A_192] : memref<65536x64xf32, #tpu.memory_space<hbm>> -> memref<128x64xf32, #tpu.memory_space<hbm>>
    %dma_start3A_194 = arith.constant 0 : i32
    %dma_start3A_195 = tpu.memref_slice %arg7[%add3A_191, %dma_start3A_194] : memref<65536x64xf32, #tpu.memory_space<hbm>> -> memref<128x64xf32, #tpu.memory_space<hbm>>
    tpu.enqueue_dma source(%arg14 : memref<128x64xf32, #tpu.memory_space<vmem>>) target(%dma_start3A_195 : memref<128x64xf32, #tpu.memory_space<hbm>>) target_semaphore(%arg17 : memref<!tpu.dma_semaphore, #tpu.memory_space<semaphore_mem>>)
    %dma_wait3A_196 = arith.constant 0 : i32
    %dma_wait3A_197 = tpu.memref_slice %arg7[%add3A_165, %dma_wait3A_196] : memref<65536x64xf32, #tpu.memory_space<hbm>> -> memref<128x64xf32, #tpu.memory_space<hbm>>
    %dma_wait3A_198 = arith.constant 0 : i32
    %dma_wait3A_199 = tpu.memref_slice %arg7[%add3A_165, %dma_wait3A_198] : memref<65536x64xf32, #tpu.memory_space<hbm>> -> memref<128x64xf32, #tpu.memory_space<hbm>>
    tpu.wait_dma2 semaphore(%arg16 : memref<!tpu.dma_semaphore, #tpu.memory_space<semaphore_mem>>) src(%arg13 : memref<128x64xf32, #tpu.memory_space<vmem>>) dst(%dma_wait3A_199 : memref<128x64xf32, #tpu.memory_space<hbm>>)
    %dma_start3A_200 = arith.constant 512 : i32
    %dma_start3A_201 = tpu.memref_slice %arg11[%dma_start3A_200] : memref<2048xi32, #tpu.memory_space<vmem>> -> memref<128xi32, #tpu.memory_space<vmem>>
    %dma_start3A_202 = arith.constant 0 : i32
    %dma_start3A_203 = arith.constant 0 : i32
    %dma_start3A_204 = tpu.memref_slice %arg5[%dma_start3A_202, %dma_start3A_203] : memref<22801x64xf32, #tpu.memory_space<hbm>> -> memref<22801x64xf32, #tpu.memory_space<hbm>>
    tpu.enqueue_indirect_dma source(%dma_start3A_204 : memref<22801x64xf32, #tpu.memory_space<hbm>>) target(%arg13 : memref<128x64xf32, #tpu.memory_space<vmem>>) offsets(%dma_start3A_201 : memref<128xi32, #tpu.memory_space<vmem>>) semaphore(%arg15 : memref<!tpu.dma_semaphore, #tpu.memory_space<semaphore_mem>>)
    %scan3A_205 = arith.constant 0 : i32
    %scan3A_206 = arith.constant 0 : i32
    %scan3A_207 = arith.constant 8 : i32
    %scan3A_208 = arith.addi %scan3A_206, %scan3A_207 : i32
    %scan3A_209 = arith.constant 1 : i32
    scf.for %scan3A_512 = %scan3A_206 to %scan3A_208 step %scan3A_209  : i32 {
      %mul3A_513 = arith.constant 16 : i32
      %mul3A_514 = arith.muli %scan3A_512, %mul3A_513 : i32
      %add3A_515 = arith.constant 640 : i32
      %add3A_516 = arith.addi %add3A_515, %mul3A_514 : i32
      %add3A_517 = vector.broadcast %add3A_516 : i32 to vector<16xi32>
      %add3A_518 = arith.addi %add3A_517, %iota3A : vector<16xi32>
      %gather3A_519 = tpu.vector_load_idx %arg9[%add3A_518] : memref<2048xi32, #tpu.memory_space<vmem>>[vector<16xi32>], vector<16xi32>,
      %gather3A_520 = tpu.vector_load_idx %arg10[%add3A_518] : memref<2048xi32, #tpu.memory_space<vmem>>[vector<16xi32>], vector<16xi32>,
      %gather3A_521 = tpu.vector_load_idx %arg8[%gather3A_519] : memref<4096xi32, #tpu.memory_space<vmem>>[vector<16xi32>], vector<16xi32>,
      %gather3A_522 = tpu.vector_load_idx %arg8[%gather3A_520] : memref<4096xi32, #tpu.memory_space<vmem>>[vector<16xi32>], vector<16xi32>,
      %mul3A_523 = arith.constant 151 : i32
      %mul3A_524 = vector.broadcast %mul3A_523 : i32 to vector<16xi32>
      %mul3A_525 = arith.muli %gather3A_521, %mul3A_524 : vector<16xi32>
      %add3A_526 = arith.addi %mul3A_525, %gather3A_522 : vector<16xi32>
      %mul3A_527 = arith.constant 16 : i32
      %mul3A_528 = arith.muli %scan3A_512, %mul3A_527 : i32
      %add3A_529 = arith.constant 640 : i32
      %add3A_530 = arith.addi %add3A_529, %mul3A_528 : i32
      %swap3A = arith.index_cast %add3A_530 : i32 to index
      %swap3A_531 = tpu.vector_load %arg11[%swap3A] {strides = array<i32>} : memref<2048xi32, #tpu.memory_space<vmem>>, vector<16xi32>,
      tpu.vector_store %arg11[%swap3A], %add3A_526 {strides = array<i32>} : memref<2048xi32, #tpu.memory_space<vmem>>, vector<16xi32>,
    }
    %scan3A_210 = arith.constant 8 : i32
    %dma_wait3A_211 = arith.constant 512 : i32
    %dma_wait3A_212 = tpu.memref_slice %arg11[%dma_wait3A_211] : memref<2048xi32, #tpu.memory_space<vmem>> -> memref<128xi32, #tpu.memory_space<vmem>>
    %dma_wait3A_213 = arith.constant 0 : i32
    %dma_wait3A_214 = arith.constant 0 : i32
    %dma_wait3A_215 = tpu.memref_slice %arg5[%dma_wait3A_213, %dma_wait3A_214] : memref<22801x64xf32, #tpu.memory_space<hbm>> -> memref<22801x64xf32, #tpu.memory_space<hbm>>
    tpu.wait_indirect_dma semaphore(%arg15 : memref<!tpu.dma_semaphore, #tpu.memory_space<semaphore_mem>>) src(%dma_wait3A_215 : memref<22801x64xf32, #tpu.memory_space<hbm>>) dst(%arg13 : memref<128x64xf32, #tpu.memory_space<vmem>>)
    %add3A_216 = arith.constant 512 : i32
    %add3A_217 = arith.addi %mul3A_2, %add3A_216 : i32
    %dma_start3A_218 = arith.constant 0 : i32
    %dma_start3A_219 = tpu.memref_slice %arg7[%add3A_217, %dma_start3A_218] : memref<65536x64xf32, #tpu.memory_space<hbm>> -> memref<128x64xf32, #tpu.memory_space<hbm>>
    %dma_start3A_220 = arith.constant 0 : i32
    %dma_start3A_221 = tpu.memref_slice %arg7[%add3A_217, %dma_start3A_220] : memref<65536x64xf32, #tpu.memory_space<hbm>> -> memref<128x64xf32, #tpu.memory_space<hbm>>
    tpu.enqueue_dma source(%arg13 : memref<128x64xf32, #tpu.memory_space<vmem>>) target(%dma_start3A_221 : memref<128x64xf32, #tpu.memory_space<hbm>>) target_semaphore(%arg16 : memref<!tpu.dma_semaphore, #tpu.memory_space<semaphore_mem>>)
    %dma_wait3A_222 = arith.constant 0 : i32
    %dma_wait3A_223 = tpu.memref_slice %arg7[%add3A_191, %dma_wait3A_222] : memref<65536x64xf32, #tpu.memory_space<hbm>> -> memref<128x64xf32, #tpu.memory_space<hbm>>
    %dma_wait3A_224 = arith.constant 0 : i32
    %dma_wait3A_225 = tpu.memref_slice %arg7[%add3A_191, %dma_wait3A_224] : memref<65536x64xf32, #tpu.memory_space<hbm>> -> memref<128x64xf32, #tpu.memory_space<hbm>>
    tpu.wait_dma2 semaphore(%arg17 : memref<!tpu.dma_semaphore, #tpu.memory_space<semaphore_mem>>) src(%arg14 : memref<128x64xf32, #tpu.memory_space<vmem>>) dst(%dma_wait3A_225 : memref<128x64xf32, #tpu.memory_space<hbm>>)
    %dma_start3A_226 = arith.constant 640 : i32
    %dma_start3A_227 = tpu.memref_slice %arg11[%dma_start3A_226] : memref<2048xi32, #tpu.memory_space<vmem>> -> memref<128xi32, #tpu.memory_space<vmem>>
    %dma_start3A_228 = arith.constant 0 : i32
    %dma_start3A_229 = arith.constant 0 : i32
    %dma_start3A_230 = tpu.memref_slice %arg5[%dma_start3A_228, %dma_start3A_229] : memref<22801x64xf32, #tpu.memory_space<hbm>> -> memref<22801x64xf32, #tpu.memory_space<hbm>>
    tpu.enqueue_indirect_dma source(%dma_start3A_230 : memref<22801x64xf32, #tpu.memory_space<hbm>>) target(%arg14 : memref<128x64xf32, #tpu.memory_space<vmem>>) offsets(%dma_start3A_227 : memref<128xi32, #tpu.memory_space<vmem>>) semaphore(%arg15 : memref<!tpu.dma_semaphore, #tpu.memory_space<semaphore_mem>>)
    %scan3A_231 = arith.constant 0 : i32
    %scan3A_232 = arith.constant 0 : i32
    %scan3A_233 = arith.constant 8 : i32
    %scan3A_234 = arith.addi %scan3A_232, %scan3A_233 : i32
    %scan3A_235 = arith.constant 1 : i32
    scf.for %scan3A_512 = %scan3A_232 to %scan3A_234 step %scan3A_235  : i32 {
      %mul3A_513 = arith.constant 16 : i32
      %mul3A_514 = arith.muli %scan3A_512, %mul3A_513 : i32
      %add3A_515 = arith.constant 768 : i32
      %add3A_516 = arith.addi %add3A_515, %mul3A_514 : i32
      %add3A_517 = vector.broadcast %add3A_516 : i32 to vector<16xi32>
      %add3A_518 = arith.addi %add3A_517, %iota3A : vector<16xi32>
      %gather3A_519 = tpu.vector_load_idx %arg9[%add3A_518] : memref<2048xi32, #tpu.memory_space<vmem>>[vector<16xi32>], vector<16xi32>,
      %gather3A_520 = tpu.vector_load_idx %arg10[%add3A_518] : memref<2048xi32, #tpu.memory_space<vmem>>[vector<16xi32>], vector<16xi32>,
      %gather3A_521 = tpu.vector_load_idx %arg8[%gather3A_519] : memref<4096xi32, #tpu.memory_space<vmem>>[vector<16xi32>], vector<16xi32>,
      %gather3A_522 = tpu.vector_load_idx %arg8[%gather3A_520] : memref<4096xi32, #tpu.memory_space<vmem>>[vector<16xi32>], vector<16xi32>,
      %mul3A_523 = arith.constant 151 : i32
      %mul3A_524 = vector.broadcast %mul3A_523 : i32 to vector<16xi32>
      %mul3A_525 = arith.muli %gather3A_521, %mul3A_524 : vector<16xi32>
      %add3A_526 = arith.addi %mul3A_525, %gather3A_522 : vector<16xi32>
      %mul3A_527 = arith.constant 16 : i32
      %mul3A_528 = arith.muli %scan3A_512, %mul3A_527 : i32
      %add3A_529 = arith.constant 768 : i32
      %add3A_530 = arith.addi %add3A_529, %mul3A_528 : i32
      %swap3A = arith.index_cast %add3A_530 : i32 to index
      %swap3A_531 = tpu.vector_load %arg11[%swap3A] {strides = array<i32>} : memref<2048xi32, #tpu.memory_space<vmem>>, vector<16xi32>,
      tpu.vector_store %arg11[%swap3A], %add3A_526 {strides = array<i32>} : memref<2048xi32, #tpu.memory_space<vmem>>, vector<16xi32>,
    }
    %scan3A_236 = arith.constant 8 : i32
    %dma_wait3A_237 = arith.constant 640 : i32
    %dma_wait3A_238 = tpu.memref_slice %arg11[%dma_wait3A_237] : memref<2048xi32, #tpu.memory_space<vmem>> -> memref<128xi32, #tpu.memory_space<vmem>>
    %dma_wait3A_239 = arith.constant 0 : i32
    %dma_wait3A_240 = arith.constant 0 : i32
    %dma_wait3A_241 = tpu.memref_slice %arg5[%dma_wait3A_239, %dma_wait3A_240] : memref<22801x64xf32, #tpu.memory_space<hbm>> -> memref<22801x64xf32, #tpu.memory_space<hbm>>
    tpu.wait_indirect_dma semaphore(%arg15 : memref<!tpu.dma_semaphore, #tpu.memory_space<semaphore_mem>>) src(%dma_wait3A_241 : memref<22801x64xf32, #tpu.memory_space<hbm>>) dst(%arg14 : memref<128x64xf32, #tpu.memory_space<vmem>>)
    %add3A_242 = arith.constant 640 : i32
    %add3A_243 = arith.addi %mul3A_2, %add3A_242 : i32
    %dma_start3A_244 = arith.constant 0 : i32
    %dma_start3A_245 = tpu.memref_slice %arg7[%add3A_243, %dma_start3A_244] : memref<65536x64xf32, #tpu.memory_space<hbm>> -> memref<128x64xf32, #tpu.memory_space<hbm>>
    %dma_start3A_246 = arith.constant 0 : i32
    %dma_start3A_247 = tpu.memref_slice %arg7[%add3A_243, %dma_start3A_246] : memref<65536x64xf32, #tpu.memory_space<hbm>> -> memref<128x64xf32, #tpu.memory_space<hbm>>
    tpu.enqueue_dma source(%arg14 : memref<128x64xf32, #tpu.memory_space<vmem>>) target(%dma_start3A_247 : memref<128x64xf32, #tpu.memory_space<hbm>>) target_semaphore(%arg17 : memref<!tpu.dma_semaphore, #tpu.memory_space<semaphore_mem>>)
    %dma_wait3A_248 = arith.constant 0 : i32
    %dma_wait3A_249 = tpu.memref_slice %arg7[%add3A_217, %dma_wait3A_248] : memref<65536x64xf32, #tpu.memory_space<hbm>> -> memref<128x64xf32, #tpu.memory_space<hbm>>
    %dma_wait3A_250 = arith.constant 0 : i32
    %dma_wait3A_251 = tpu.memref_slice %arg7[%add3A_217, %dma_wait3A_250] : memref<65536x64xf32, #tpu.memory_space<hbm>> -> memref<128x64xf32, #tpu.memory_space<hbm>>
    tpu.wait_dma2 semaphore(%arg16 : memref<!tpu.dma_semaphore, #tpu.memory_space<semaphore_mem>>) src(%arg13 : memref<128x64xf32, #tpu.memory_space<vmem>>) dst(%dma_wait3A_251 : memref<128x64xf32, #tpu.memory_space<hbm>>)
    %dma_start3A_252 = arith.constant 768 : i32
    %dma_start3A_253 = tpu.memref_slice %arg11[%dma_start3A_252] : memref<2048xi32, #tpu.memory_space<vmem>> -> memref<128xi32, #tpu.memory_space<vmem>>
    %dma_start3A_254 = arith.constant 0 : i32
    %dma_start3A_255 = arith.constant 0 : i32
    %dma_start3A_256 = tpu.memref_slice %arg5[%dma_start3A_254, %dma_start3A_255] : memref<22801x64xf32, #tpu.memory_space<hbm>> -> memref<22801x64xf32, #tpu.memory_space<hbm>>
    tpu.enqueue_indirect_dma source(%dma_start3A_256 : memref<22801x64xf32, #tpu.memory_space<hbm>>) target(%arg13 : memref<128x64xf32, #tpu.memory_space<vmem>>) offsets(%dma_start3A_253 : memref<128xi32, #tpu.memory_space<vmem>>) semaphore(%arg15 : memref<!tpu.dma_semaphore, #tpu.memory_space<semaphore_mem>>)
    %scan3A_257 = arith.constant 0 : i32
    %scan3A_258 = arith.constant 0 : i32
    %scan3A_259 = arith.constant 8 : i32
    %scan3A_260 = arith.addi %scan3A_258, %scan3A_259 : i32
    %scan3A_261 = arith.constant 1 : i32
    scf.for %scan3A_512 = %scan3A_258 to %scan3A_260 step %scan3A_261  : i32 {
      %mul3A_513 = arith.constant 16 : i32
      %mul3A_514 = arith.muli %scan3A_512, %mul3A_513 : i32
      %add3A_515 = arith.constant 896 : i32
      %add3A_516 = arith.addi %add3A_515, %mul3A_514 : i32
      %add3A_517 = vector.broadcast %add3A_516 : i32 to vector<16xi32>
      %add3A_518 = arith.addi %add3A_517, %iota3A : vector<16xi32>
      %gather3A_519 = tpu.vector_load_idx %arg9[%add3A_518] : memref<2048xi32, #tpu.memory_space<vmem>>[vector<16xi32>], vector<16xi32>,
      %gather3A_520 = tpu.vector_load_idx %arg10[%add3A_518] : memref<2048xi32, #tpu.memory_space<vmem>>[vector<16xi32>], vector<16xi32>,
      %gather3A_521 = tpu.vector_load_idx %arg8[%gather3A_519] : memref<4096xi32, #tpu.memory_space<vmem>>[vector<16xi32>], vector<16xi32>,
      %gather3A_522 = tpu.vector_load_idx %arg8[%gather3A_520] : memref<4096xi32, #tpu.memory_space<vmem>>[vector<16xi32>], vector<16xi32>,
      %mul3A_523 = arith.constant 151 : i32
      %mul3A_524 = vector.broadcast %mul3A_523 : i32 to vector<16xi32>
      %mul3A_525 = arith.muli %gather3A_521, %mul3A_524 : vector<16xi32>
      %add3A_526 = arith.addi %mul3A_525, %gather3A_522 : vector<16xi32>
      %mul3A_527 = arith.constant 16 : i32
      %mul3A_528 = arith.muli %scan3A_512, %mul3A_527 : i32
      %add3A_529 = arith.constant 896 : i32
      %add3A_530 = arith.addi %add3A_529, %mul3A_528 : i32
      %swap3A = arith.index_cast %add3A_530 : i32 to index
      %swap3A_531 = tpu.vector_load %arg11[%swap3A] {strides = array<i32>} : memref<2048xi32, #tpu.memory_space<vmem>>, vector<16xi32>,
      tpu.vector_store %arg11[%swap3A], %add3A_526 {strides = array<i32>} : memref<2048xi32, #tpu.memory_space<vmem>>, vector<16xi32>,
    }
    %scan3A_262 = arith.constant 8 : i32
    %dma_wait3A_263 = arith.constant 768 : i32
    %dma_wait3A_264 = tpu.memref_slice %arg11[%dma_wait3A_263] : memref<2048xi32, #tpu.memory_space<vmem>> -> memref<128xi32, #tpu.memory_space<vmem>>
    %dma_wait3A_265 = arith.constant 0 : i32
    %dma_wait3A_266 = arith.constant 0 : i32
    %dma_wait3A_267 = tpu.memref_slice %arg5[%dma_wait3A_265, %dma_wait3A_266] : memref<22801x64xf32, #tpu.memory_space<hbm>> -> memref<22801x64xf32, #tpu.memory_space<hbm>>
    tpu.wait_indirect_dma semaphore(%arg15 : memref<!tpu.dma_semaphore, #tpu.memory_space<semaphore_mem>>) src(%dma_wait3A_267 : memref<22801x64xf32, #tpu.memory_space<hbm>>) dst(%arg13 : memref<128x64xf32, #tpu.memory_space<vmem>>)
    %add3A_268 = arith.constant 768 : i32
    %add3A_269 = arith.addi %mul3A_2, %add3A_268 : i32
    %dma_start3A_270 = arith.constant 0 : i32
    %dma_start3A_271 = tpu.memref_slice %arg7[%add3A_269, %dma_start3A_270] : memref<65536x64xf32, #tpu.memory_space<hbm>> -> memref<128x64xf32, #tpu.memory_space<hbm>>
    %dma_start3A_272 = arith.constant 0 : i32
    %dma_start3A_273 = tpu.memref_slice %arg7[%add3A_269, %dma_start3A_272] : memref<65536x64xf32, #tpu.memory_space<hbm>> -> memref<128x64xf32, #tpu.memory_space<hbm>>
    tpu.enqueue_dma source(%arg13 : memref<128x64xf32, #tpu.memory_space<vmem>>) target(%dma_start3A_273 : memref<128x64xf32, #tpu.memory_space<hbm>>) target_semaphore(%arg16 : memref<!tpu.dma_semaphore, #tpu.memory_space<semaphore_mem>>)
    %dma_wait3A_274 = arith.constant 0 : i32
    %dma_wait3A_275 = tpu.memref_slice %arg7[%add3A_243, %dma_wait3A_274] : memref<65536x64xf32, #tpu.memory_space<hbm>> -> memref<128x64xf32, #tpu.memory_space<hbm>>
    %dma_wait3A_276 = arith.constant 0 : i32
    %dma_wait3A_277 = tpu.memref_slice %arg7[%add3A_243, %dma_wait3A_276] : memref<65536x64xf32, #tpu.memory_space<hbm>> -> memref<128x64xf32, #tpu.memory_space<hbm>>
    tpu.wait_dma2 semaphore(%arg17 : memref<!tpu.dma_semaphore, #tpu.memory_space<semaphore_mem>>) src(%arg14 : memref<128x64xf32, #tpu.memory_space<vmem>>) dst(%dma_wait3A_277 : memref<128x64xf32, #tpu.memory_space<hbm>>)
    %dma_start3A_278 = arith.constant 896 : i32
    %dma_start3A_279 = tpu.memref_slice %arg11[%dma_start3A_278] : memref<2048xi32, #tpu.memory_space<vmem>> -> memref<128xi32, #tpu.memory_space<vmem>>
    %dma_start3A_280 = arith.constant 0 : i32
    %dma_start3A_281 = arith.constant 0 : i32
    %dma_start3A_282 = tpu.memref_slice %arg5[%dma_start3A_280, %dma_start3A_281] : memref<22801x64xf32, #tpu.memory_space<hbm>> -> memref<22801x64xf32, #tpu.memory_space<hbm>>
    tpu.enqueue_indirect_dma source(%dma_start3A_282 : memref<22801x64xf32, #tpu.memory_space<hbm>>) target(%arg14 : memref<128x64xf32, #tpu.memory_space<vmem>>) offsets(%dma_start3A_279 : memref<128xi32, #tpu.memory_space<vmem>>) semaphore(%arg15 : memref<!tpu.dma_semaphore, #tpu.memory_space<semaphore_mem>>)
    %scan3A_283 = arith.constant 0 : i32
    %scan3A_284 = arith.constant 0 : i32
    %scan3A_285 = arith.constant 8 : i32
    %scan3A_286 = arith.addi %scan3A_284, %scan3A_285 : i32
    %scan3A_287 = arith.constant 1 : i32
    scf.for %scan3A_512 = %scan3A_284 to %scan3A_286 step %scan3A_287  : i32 {
      %mul3A_513 = arith.constant 16 : i32
      %mul3A_514 = arith.muli %scan3A_512, %mul3A_513 : i32
      %add3A_515 = arith.constant 1024 : i32
      %add3A_516 = arith.addi %add3A_515, %mul3A_514 : i32
      %add3A_517 = vector.broadcast %add3A_516 : i32 to vector<16xi32>
      %add3A_518 = arith.addi %add3A_517, %iota3A : vector<16xi32>
      %gather3A_519 = tpu.vector_load_idx %arg9[%add3A_518] : memref<2048xi32, #tpu.memory_space<vmem>>[vector<16xi32>], vector<16xi32>,
      %gather3A_520 = tpu.vector_load_idx %arg10[%add3A_518] : memref<2048xi32, #tpu.memory_space<vmem>>[vector<16xi32>], vector<16xi32>,
      %gather3A_521 = tpu.vector_load_idx %arg8[%gather3A_519] : memref<4096xi32, #tpu.memory_space<vmem>>[vector<16xi32>], vector<16xi32>,
      %gather3A_522 = tpu.vector_load_idx %arg8[%gather3A_520] : memref<4096xi32, #tpu.memory_space<vmem>>[vector<16xi32>], vector<16xi32>,
      %mul3A_523 = arith.constant 151 : i32
      %mul3A_524 = vector.broadcast %mul3A_523 : i32 to vector<16xi32>
      %mul3A_525 = arith.muli %gather3A_521, %mul3A_524 : vector<16xi32>
      %add3A_526 = arith.addi %mul3A_525, %gather3A_522 : vector<16xi32>
      %mul3A_527 = arith.constant 16 : i32
      %mul3A_528 = arith.muli %scan3A_512, %mul3A_527 : i32
      %add3A_529 = arith.constant 1024 : i32
      %add3A_530 = arith.addi %add3A_529, %mul3A_528 : i32
      %swap3A = arith.index_cast %add3A_530 : i32 to index
      %swap3A_531 = tpu.vector_load %arg11[%swap3A] {strides = array<i32>} : memref<2048xi32, #tpu.memory_space<vmem>>, vector<16xi32>,
      tpu.vector_store %arg11[%swap3A], %add3A_526 {strides = array<i32>} : memref<2048xi32, #tpu.memory_space<vmem>>, vector<16xi32>,
    }
    %scan3A_288 = arith.constant 8 : i32
    %dma_wait3A_289 = arith.constant 896 : i32
    %dma_wait3A_290 = tpu.memref_slice %arg11[%dma_wait3A_289] : memref<2048xi32, #tpu.memory_space<vmem>> -> memref<128xi32, #tpu.memory_space<vmem>>
    %dma_wait3A_291 = arith.constant 0 : i32
    %dma_wait3A_292 = arith.constant 0 : i32
    %dma_wait3A_293 = tpu.memref_slice %arg5[%dma_wait3A_291, %dma_wait3A_292] : memref<22801x64xf32, #tpu.memory_space<hbm>> -> memref<22801x64xf32, #tpu.memory_space<hbm>>
    tpu.wait_indirect_dma semaphore(%arg15 : memref<!tpu.dma_semaphore, #tpu.memory_space<semaphore_mem>>) src(%dma_wait3A_293 : memref<22801x64xf32, #tpu.memory_space<hbm>>) dst(%arg14 : memref<128x64xf32, #tpu.memory_space<vmem>>)
    %add3A_294 = arith.constant 896 : i32
    %add3A_295 = arith.addi %mul3A_2, %add3A_294 : i32
    %dma_start3A_296 = arith.constant 0 : i32
    %dma_start3A_297 = tpu.memref_slice %arg7[%add3A_295, %dma_start3A_296] : memref<65536x64xf32, #tpu.memory_space<hbm>> -> memref<128x64xf32, #tpu.memory_space<hbm>>
    %dma_start3A_298 = arith.constant 0 : i32
    %dma_start3A_299 = tpu.memref_slice %arg7[%add3A_295, %dma_start3A_298] : memref<65536x64xf32, #tpu.memory_space<hbm>> -> memref<128x64xf32, #tpu.memory_space<hbm>>
    tpu.enqueue_dma source(%arg14 : memref<128x64xf32, #tpu.memory_space<vmem>>) target(%dma_start3A_299 : memref<128x64xf32, #tpu.memory_space<hbm>>) target_semaphore(%arg17 : memref<!tpu.dma_semaphore, #tpu.memory_space<semaphore_mem>>)
    %dma_wait3A_300 = arith.constant 0 : i32
    %dma_wait3A_301 = tpu.memref_slice %arg7[%add3A_269, %dma_wait3A_300] : memref<65536x64xf32, #tpu.memory_space<hbm>> -> memref<128x64xf32, #tpu.memory_space<hbm>>
    %dma_wait3A_302 = arith.constant 0 : i32
    %dma_wait3A_303 = tpu.memref_slice %arg7[%add3A_269, %dma_wait3A_302] : memref<65536x64xf32, #tpu.memory_space<hbm>> -> memref<128x64xf32, #tpu.memory_space<hbm>>
    tpu.wait_dma2 semaphore(%arg16 : memref<!tpu.dma_semaphore, #tpu.memory_space<semaphore_mem>>) src(%arg13 : memref<128x64xf32, #tpu.memory_space<vmem>>) dst(%dma_wait3A_303 : memref<128x64xf32, #tpu.memory_space<hbm>>)
    %dma_start3A_304 = arith.constant 1024 : i32
    %dma_start3A_305 = tpu.memref_slice %arg11[%dma_start3A_304] : memref<2048xi32, #tpu.memory_space<vmem>> -> memref<128xi32, #tpu.memory_space<vmem>>
    %dma_start3A_306 = arith.constant 0 : i32
    %dma_start3A_307 = arith.constant 0 : i32
    %dma_start3A_308 = tpu.memref_slice %arg5[%dma_start3A_306, %dma_start3A_307] : memref<22801x64xf32, #tpu.memory_space<hbm>> -> memref<22801x64xf32, #tpu.memory_space<hbm>>
    tpu.enqueue_indirect_dma source(%dma_start3A_308 : memref<22801x64xf32, #tpu.memory_space<hbm>>) target(%arg13 : memref<128x64xf32, #tpu.memory_space<vmem>>) offsets(%dma_start3A_305 : memref<128xi32, #tpu.memory_space<vmem>>) semaphore(%arg15 : memref<!tpu.dma_semaphore, #tpu.memory_space<semaphore_mem>>)
    %scan3A_309 = arith.constant 0 : i32
    %scan3A_310 = arith.constant 0 : i32
    %scan3A_311 = arith.constant 8 : i32
    %scan3A_312 = arith.addi %scan3A_310, %scan3A_311 : i32
    %scan3A_313 = arith.constant 1 : i32
    scf.for %scan3A_512 = %scan3A_310 to %scan3A_312 step %scan3A_313  : i32 {
      %mul3A_513 = arith.constant 16 : i32
      %mul3A_514 = arith.muli %scan3A_512, %mul3A_513 : i32
      %add3A_515 = arith.constant 1152 : i32
      %add3A_516 = arith.addi %add3A_515, %mul3A_514 : i32
      %add3A_517 = vector.broadcast %add3A_516 : i32 to vector<16xi32>
      %add3A_518 = arith.addi %add3A_517, %iota3A : vector<16xi32>
      %gather3A_519 = tpu.vector_load_idx %arg9[%add3A_518] : memref<2048xi32, #tpu.memory_space<vmem>>[vector<16xi32>], vector<16xi32>,
      %gather3A_520 = tpu.vector_load_idx %arg10[%add3A_518] : memref<2048xi32, #tpu.memory_space<vmem>>[vector<16xi32>], vector<16xi32>,
      %gather3A_521 = tpu.vector_load_idx %arg8[%gather3A_519] : memref<4096xi32, #tpu.memory_space<vmem>>[vector<16xi32>], vector<16xi32>,
      %gather3A_522 = tpu.vector_load_idx %arg8[%gather3A_520] : memref<4096xi32, #tpu.memory_space<vmem>>[vector<16xi32>], vector<16xi32>,
      %mul3A_523 = arith.constant 151 : i32
      %mul3A_524 = vector.broadcast %mul3A_523 : i32 to vector<16xi32>
      %mul3A_525 = arith.muli %gather3A_521, %mul3A_524 : vector<16xi32>
      %add3A_526 = arith.addi %mul3A_525, %gather3A_522 : vector<16xi32>
      %mul3A_527 = arith.constant 16 : i32
      %mul3A_528 = arith.muli %scan3A_512, %mul3A_527 : i32
      %add3A_529 = arith.constant 1152 : i32
      %add3A_530 = arith.addi %add3A_529, %mul3A_528 : i32
      %swap3A = arith.index_cast %add3A_530 : i32 to index
      %swap3A_531 = tpu.vector_load %arg11[%swap3A] {strides = array<i32>} : memref<2048xi32, #tpu.memory_space<vmem>>, vector<16xi32>,
      tpu.vector_store %arg11[%swap3A], %add3A_526 {strides = array<i32>} : memref<2048xi32, #tpu.memory_space<vmem>>, vector<16xi32>,
    }
    %scan3A_314 = arith.constant 8 : i32
    %dma_wait3A_315 = arith.constant 1024 : i32
    %dma_wait3A_316 = tpu.memref_slice %arg11[%dma_wait3A_315] : memref<2048xi32, #tpu.memory_space<vmem>> -> memref<128xi32, #tpu.memory_space<vmem>>
    %dma_wait3A_317 = arith.constant 0 : i32
    %dma_wait3A_318 = arith.constant 0 : i32
    %dma_wait3A_319 = tpu.memref_slice %arg5[%dma_wait3A_317, %dma_wait3A_318] : memref<22801x64xf32, #tpu.memory_space<hbm>> -> memref<22801x64xf32, #tpu.memory_space<hbm>>
    tpu.wait_indirect_dma semaphore(%arg15 : memref<!tpu.dma_semaphore, #tpu.memory_space<semaphore_mem>>) src(%dma_wait3A_319 : memref<22801x64xf32, #tpu.memory_space<hbm>>) dst(%arg13 : memref<128x64xf32, #tpu.memory_space<vmem>>)
    %add3A_320 = arith.constant 1024 : i32
    %add3A_321 = arith.addi %mul3A_2, %add3A_320 : i32
    %dma_start3A_322 = arith.constant 0 : i32
    %dma_start3A_323 = tpu.memref_slice %arg7[%add3A_321, %dma_start3A_322] : memref<65536x64xf32, #tpu.memory_space<hbm>> -> memref<128x64xf32, #tpu.memory_space<hbm>>
    %dma_start3A_324 = arith.constant 0 : i32
    %dma_start3A_325 = tpu.memref_slice %arg7[%add3A_321, %dma_start3A_324] : memref<65536x64xf32, #tpu.memory_space<hbm>> -> memref<128x64xf32, #tpu.memory_space<hbm>>
    tpu.enqueue_dma source(%arg13 : memref<128x64xf32, #tpu.memory_space<vmem>>) target(%dma_start3A_325 : memref<128x64xf32, #tpu.memory_space<hbm>>) target_semaphore(%arg16 : memref<!tpu.dma_semaphore, #tpu.memory_space<semaphore_mem>>)
    %dma_wait3A_326 = arith.constant 0 : i32
    %dma_wait3A_327 = tpu.memref_slice %arg7[%add3A_295, %dma_wait3A_326] : memref<65536x64xf32, #tpu.memory_space<hbm>> -> memref<128x64xf32, #tpu.memory_space<hbm>>
    %dma_wait3A_328 = arith.constant 0 : i32
    %dma_wait3A_329 = tpu.memref_slice %arg7[%add3A_295, %dma_wait3A_328] : memref<65536x64xf32, #tpu.memory_space<hbm>> -> memref<128x64xf32, #tpu.memory_space<hbm>>
    tpu.wait_dma2 semaphore(%arg17 : memref<!tpu.dma_semaphore, #tpu.memory_space<semaphore_mem>>) src(%arg14 : memref<128x64xf32, #tpu.memory_space<vmem>>) dst(%dma_wait3A_329 : memref<128x64xf32, #tpu.memory_space<hbm>>)
    %dma_start3A_330 = arith.constant 1152 : i32
    %dma_start3A_331 = tpu.memref_slice %arg11[%dma_start3A_330] : memref<2048xi32, #tpu.memory_space<vmem>> -> memref<128xi32, #tpu.memory_space<vmem>>
    %dma_start3A_332 = arith.constant 0 : i32
    %dma_start3A_333 = arith.constant 0 : i32
    %dma_start3A_334 = tpu.memref_slice %arg5[%dma_start3A_332, %dma_start3A_333] : memref<22801x64xf32, #tpu.memory_space<hbm>> -> memref<22801x64xf32, #tpu.memory_space<hbm>>
    tpu.enqueue_indirect_dma source(%dma_start3A_334 : memref<22801x64xf32, #tpu.memory_space<hbm>>) target(%arg14 : memref<128x64xf32, #tpu.memory_space<vmem>>) offsets(%dma_start3A_331 : memref<128xi32, #tpu.memory_space<vmem>>) semaphore(%arg15 : memref<!tpu.dma_semaphore, #tpu.memory_space<semaphore_mem>>)
    %scan3A_335 = arith.constant 0 : i32
    %scan3A_336 = arith.constant 0 : i32
    %scan3A_337 = arith.constant 8 : i32
    %scan3A_338 = arith.addi %scan3A_336, %scan3A_337 : i32
    %scan3A_339 = arith.constant 1 : i32
    scf.for %scan3A_512 = %scan3A_336 to %scan3A_338 step %scan3A_339  : i32 {
      %mul3A_513 = arith.constant 16 : i32
      %mul3A_514 = arith.muli %scan3A_512, %mul3A_513 : i32
      %add3A_515 = arith.constant 1280 : i32
      %add3A_516 = arith.addi %add3A_515, %mul3A_514 : i32
      %add3A_517 = vector.broadcast %add3A_516 : i32 to vector<16xi32>
      %add3A_518 = arith.addi %add3A_517, %iota3A : vector<16xi32>
      %gather3A_519 = tpu.vector_load_idx %arg9[%add3A_518] : memref<2048xi32, #tpu.memory_space<vmem>>[vector<16xi32>], vector<16xi32>,
      %gather3A_520 = tpu.vector_load_idx %arg10[%add3A_518] : memref<2048xi32, #tpu.memory_space<vmem>>[vector<16xi32>], vector<16xi32>,
      %gather3A_521 = tpu.vector_load_idx %arg8[%gather3A_519] : memref<4096xi32, #tpu.memory_space<vmem>>[vector<16xi32>], vector<16xi32>,
      %gather3A_522 = tpu.vector_load_idx %arg8[%gather3A_520] : memref<4096xi32, #tpu.memory_space<vmem>>[vector<16xi32>], vector<16xi32>,
      %mul3A_523 = arith.constant 151 : i32
      %mul3A_524 = vector.broadcast %mul3A_523 : i32 to vector<16xi32>
      %mul3A_525 = arith.muli %gather3A_521, %mul3A_524 : vector<16xi32>
      %add3A_526 = arith.addi %mul3A_525, %gather3A_522 : vector<16xi32>
      %mul3A_527 = arith.constant 16 : i32
      %mul3A_528 = arith.muli %scan3A_512, %mul3A_527 : i32
      %add3A_529 = arith.constant 1280 : i32
      %add3A_530 = arith.addi %add3A_529, %mul3A_528 : i32
      %swap3A = arith.index_cast %add3A_530 : i32 to index
      %swap3A_531 = tpu.vector_load %arg11[%swap3A] {strides = array<i32>} : memref<2048xi32, #tpu.memory_space<vmem>>, vector<16xi32>,
      tpu.vector_store %arg11[%swap3A], %add3A_526 {strides = array<i32>} : memref<2048xi32, #tpu.memory_space<vmem>>, vector<16xi32>,
    }
    %scan3A_340 = arith.constant 8 : i32
    %dma_wait3A_341 = arith.constant 1152 : i32
    %dma_wait3A_342 = tpu.memref_slice %arg11[%dma_wait3A_341] : memref<2048xi32, #tpu.memory_space<vmem>> -> memref<128xi32, #tpu.memory_space<vmem>>
    %dma_wait3A_343 = arith.constant 0 : i32
    %dma_wait3A_344 = arith.constant 0 : i32
    %dma_wait3A_345 = tpu.memref_slice %arg5[%dma_wait3A_343, %dma_wait3A_344] : memref<22801x64xf32, #tpu.memory_space<hbm>> -> memref<22801x64xf32, #tpu.memory_space<hbm>>
    tpu.wait_indirect_dma semaphore(%arg15 : memref<!tpu.dma_semaphore, #tpu.memory_space<semaphore_mem>>) src(%dma_wait3A_345 : memref<22801x64xf32, #tpu.memory_space<hbm>>) dst(%arg14 : memref<128x64xf32, #tpu.memory_space<vmem>>)
    %add3A_346 = arith.constant 1152 : i32
    %add3A_347 = arith.addi %mul3A_2, %add3A_346 : i32
    %dma_start3A_348 = arith.constant 0 : i32
    %dma_start3A_349 = tpu.memref_slice %arg7[%add3A_347, %dma_start3A_348] : memref<65536x64xf32, #tpu.memory_space<hbm>> -> memref<128x64xf32, #tpu.memory_space<hbm>>
    %dma_start3A_350 = arith.constant 0 : i32
    %dma_start3A_351 = tpu.memref_slice %arg7[%add3A_347, %dma_start3A_350] : memref<65536x64xf32, #tpu.memory_space<hbm>> -> memref<128x64xf32, #tpu.memory_space<hbm>>
    tpu.enqueue_dma source(%arg14 : memref<128x64xf32, #tpu.memory_space<vmem>>) target(%dma_start3A_351 : memref<128x64xf32, #tpu.memory_space<hbm>>) target_semaphore(%arg17 : memref<!tpu.dma_semaphore, #tpu.memory_space<semaphore_mem>>)
    %dma_wait3A_352 = arith.constant 0 : i32
    %dma_wait3A_353 = tpu.memref_slice %arg7[%add3A_321, %dma_wait3A_352] : memref<65536x64xf32, #tpu.memory_space<hbm>> -> memref<128x64xf32, #tpu.memory_space<hbm>>
    %dma_wait3A_354 = arith.constant 0 : i32
    %dma_wait3A_355 = tpu.memref_slice %arg7[%add3A_321, %dma_wait3A_354] : memref<65536x64xf32, #tpu.memory_space<hbm>> -> memref<128x64xf32, #tpu.memory_space<hbm>>
    tpu.wait_dma2 semaphore(%arg16 : memref<!tpu.dma_semaphore, #tpu.memory_space<semaphore_mem>>) src(%arg13 : memref<128x64xf32, #tpu.memory_space<vmem>>) dst(%dma_wait3A_355 : memref<128x64xf32, #tpu.memory_space<hbm>>)
    %dma_start3A_356 = arith.constant 1280 : i32
    %dma_start3A_357 = tpu.memref_slice %arg11[%dma_start3A_356] : memref<2048xi32, #tpu.memory_space<vmem>> -> memref<128xi32, #tpu.memory_space<vmem>>
    %dma_start3A_358 = arith.constant 0 : i32
    %dma_start3A_359 = arith.constant 0 : i32
    %dma_start3A_360 = tpu.memref_slice %arg5[%dma_start3A_358, %dma_start3A_359] : memref<22801x64xf32, #tpu.memory_space<hbm>> -> memref<22801x64xf32, #tpu.memory_space<hbm>>
    tpu.enqueue_indirect_dma source(%dma_start3A_360 : memref<22801x64xf32, #tpu.memory_space<hbm>>) target(%arg13 : memref<128x64xf32, #tpu.memory_space<vmem>>) offsets(%dma_start3A_357 : memref<128xi32, #tpu.memory_space<vmem>>) semaphore(%arg15 : memref<!tpu.dma_semaphore, #tpu.memory_space<semaphore_mem>>)
    %scan3A_361 = arith.constant 0 : i32
    %scan3A_362 = arith.constant 0 : i32
    %scan3A_363 = arith.constant 8 : i32
    %scan3A_364 = arith.addi %scan3A_362, %scan3A_363 : i32
    %scan3A_365 = arith.constant 1 : i32
    scf.for %scan3A_512 = %scan3A_362 to %scan3A_364 step %scan3A_365  : i32 {
      %mul3A_513 = arith.constant 16 : i32
      %mul3A_514 = arith.muli %scan3A_512, %mul3A_513 : i32
      %add3A_515 = arith.constant 1408 : i32
      %add3A_516 = arith.addi %add3A_515, %mul3A_514 : i32
      %add3A_517 = vector.broadcast %add3A_516 : i32 to vector<16xi32>
      %add3A_518 = arith.addi %add3A_517, %iota3A : vector<16xi32>
      %gather3A_519 = tpu.vector_load_idx %arg9[%add3A_518] : memref<2048xi32, #tpu.memory_space<vmem>>[vector<16xi32>], vector<16xi32>,
      %gather3A_520 = tpu.vector_load_idx %arg10[%add3A_518] : memref<2048xi32, #tpu.memory_space<vmem>>[vector<16xi32>], vector<16xi32>,
      %gather3A_521 = tpu.vector_load_idx %arg8[%gather3A_519] : memref<4096xi32, #tpu.memory_space<vmem>>[vector<16xi32>], vector<16xi32>,
      %gather3A_522 = tpu.vector_load_idx %arg8[%gather3A_520] : memref<4096xi32, #tpu.memory_space<vmem>>[vector<16xi32>], vector<16xi32>,
      %mul3A_523 = arith.constant 151 : i32
      %mul3A_524 = vector.broadcast %mul3A_523 : i32 to vector<16xi32>
      %mul3A_525 = arith.muli %gather3A_521, %mul3A_524 : vector<16xi32>
      %add3A_526 = arith.addi %mul3A_525, %gather3A_522 : vector<16xi32>
      %mul3A_527 = arith.constant 16 : i32
      %mul3A_528 = arith.muli %scan3A_512, %mul3A_527 : i32
      %add3A_529 = arith.constant 1408 : i32
      %add3A_530 = arith.addi %add3A_529, %mul3A_528 : i32
      %swap3A = arith.index_cast %add3A_530 : i32 to index
      %swap3A_531 = tpu.vector_load %arg11[%swap3A] {strides = array<i32>} : memref<2048xi32, #tpu.memory_space<vmem>>, vector<16xi32>,
      tpu.vector_store %arg11[%swap3A], %add3A_526 {strides = array<i32>} : memref<2048xi32, #tpu.memory_space<vmem>>, vector<16xi32>,
    }
    %scan3A_366 = arith.constant 8 : i32
    %dma_wait3A_367 = arith.constant 1280 : i32
    %dma_wait3A_368 = tpu.memref_slice %arg11[%dma_wait3A_367] : memref<2048xi32, #tpu.memory_space<vmem>> -> memref<128xi32, #tpu.memory_space<vmem>>
    %dma_wait3A_369 = arith.constant 0 : i32
    %dma_wait3A_370 = arith.constant 0 : i32
    %dma_wait3A_371 = tpu.memref_slice %arg5[%dma_wait3A_369, %dma_wait3A_370] : memref<22801x64xf32, #tpu.memory_space<hbm>> -> memref<22801x64xf32, #tpu.memory_space<hbm>>
    tpu.wait_indirect_dma semaphore(%arg15 : memref<!tpu.dma_semaphore, #tpu.memory_space<semaphore_mem>>) src(%dma_wait3A_371 : memref<22801x64xf32, #tpu.memory_space<hbm>>) dst(%arg13 : memref<128x64xf32, #tpu.memory_space<vmem>>)
    %add3A_372 = arith.constant 1280 : i32
    %add3A_373 = arith.addi %mul3A_2, %add3A_372 : i32
    %dma_start3A_374 = arith.constant 0 : i32
    %dma_start3A_375 = tpu.memref_slice %arg7[%add3A_373, %dma_start3A_374] : memref<65536x64xf32, #tpu.memory_space<hbm>> -> memref<128x64xf32, #tpu.memory_space<hbm>>
    %dma_start3A_376 = arith.constant 0 : i32
    %dma_start3A_377 = tpu.memref_slice %arg7[%add3A_373, %dma_start3A_376] : memref<65536x64xf32, #tpu.memory_space<hbm>> -> memref<128x64xf32, #tpu.memory_space<hbm>>
    tpu.enqueue_dma source(%arg13 : memref<128x64xf32, #tpu.memory_space<vmem>>) target(%dma_start3A_377 : memref<128x64xf32, #tpu.memory_space<hbm>>) target_semaphore(%arg16 : memref<!tpu.dma_semaphore, #tpu.memory_space<semaphore_mem>>)
    %dma_wait3A_378 = arith.constant 0 : i32
    %dma_wait3A_379 = tpu.memref_slice %arg7[%add3A_347, %dma_wait3A_378] : memref<65536x64xf32, #tpu.memory_space<hbm>> -> memref<128x64xf32, #tpu.memory_space<hbm>>
    %dma_wait3A_380 = arith.constant 0 : i32
    %dma_wait3A_381 = tpu.memref_slice %arg7[%add3A_347, %dma_wait3A_380] : memref<65536x64xf32, #tpu.memory_space<hbm>> -> memref<128x64xf32, #tpu.memory_space<hbm>>
    tpu.wait_dma2 semaphore(%arg17 : memref<!tpu.dma_semaphore, #tpu.memory_space<semaphore_mem>>) src(%arg14 : memref<128x64xf32, #tpu.memory_space<vmem>>) dst(%dma_wait3A_381 : memref<128x64xf32, #tpu.memory_space<hbm>>)
    %dma_start3A_382 = arith.constant 1408 : i32
    %dma_start3A_383 = tpu.memref_slice %arg11[%dma_start3A_382] : memref<2048xi32, #tpu.memory_space<vmem>> -> memref<128xi32, #tpu.memory_space<vmem>>
    %dma_start3A_384 = arith.constant 0 : i32
    %dma_start3A_385 = arith.constant 0 : i32
    %dma_start3A_386 = tpu.memref_slice %arg5[%dma_start3A_384, %dma_start3A_385] : memref<22801x64xf32, #tpu.memory_space<hbm>> -> memref<22801x64xf32, #tpu.memory_space<hbm>>
    tpu.enqueue_indirect_dma source(%dma_start3A_386 : memref<22801x64xf32, #tpu.memory_space<hbm>>) target(%arg14 : memref<128x64xf32, #tpu.memory_space<vmem>>) offsets(%dma_start3A_383 : memref<128xi32, #tpu.memory_space<vmem>>) semaphore(%arg15 : memref<!tpu.dma_semaphore, #tpu.memory_space<semaphore_mem>>)
    %scan3A_387 = arith.constant 0 : i32
    %scan3A_388 = arith.constant 0 : i32
    %scan3A_389 = arith.constant 8 : i32
    %scan3A_390 = arith.addi %scan3A_388, %scan3A_389 : i32
    %scan3A_391 = arith.constant 1 : i32
    scf.for %scan3A_512 = %scan3A_388 to %scan3A_390 step %scan3A_391  : i32 {
      %mul3A_513 = arith.constant 16 : i32
      %mul3A_514 = arith.muli %scan3A_512, %mul3A_513 : i32
      %add3A_515 = arith.constant 1536 : i32
      %add3A_516 = arith.addi %add3A_515, %mul3A_514 : i32
      %add3A_517 = vector.broadcast %add3A_516 : i32 to vector<16xi32>
      %add3A_518 = arith.addi %add3A_517, %iota3A : vector<16xi32>
      %gather3A_519 = tpu.vector_load_idx %arg9[%add3A_518] : memref<2048xi32, #tpu.memory_space<vmem>>[vector<16xi32>], vector<16xi32>,
      %gather3A_520 = tpu.vector_load_idx %arg10[%add3A_518] : memref<2048xi32, #tpu.memory_space<vmem>>[vector<16xi32>], vector<16xi32>,
      %gather3A_521 = tpu.vector_load_idx %arg8[%gather3A_519] : memref<4096xi32, #tpu.memory_space<vmem>>[vector<16xi32>], vector<16xi32>,
      %gather3A_522 = tpu.vector_load_idx %arg8[%gather3A_520] : memref<4096xi32, #tpu.memory_space<vmem>>[vector<16xi32>], vector<16xi32>,
      %mul3A_523 = arith.constant 151 : i32
      %mul3A_524 = vector.broadcast %mul3A_523 : i32 to vector<16xi32>
      %mul3A_525 = arith.muli %gather3A_521, %mul3A_524 : vector<16xi32>
      %add3A_526 = arith.addi %mul3A_525, %gather3A_522 : vector<16xi32>
      %mul3A_527 = arith.constant 16 : i32
      %mul3A_528 = arith.muli %scan3A_512, %mul3A_527 : i32
      %add3A_529 = arith.constant 1536 : i32
      %add3A_530 = arith.addi %add3A_529, %mul3A_528 : i32
      %swap3A = arith.index_cast %add3A_530 : i32 to index
      %swap3A_531 = tpu.vector_load %arg11[%swap3A] {strides = array<i32>} : memref<2048xi32, #tpu.memory_space<vmem>>, vector<16xi32>,
      tpu.vector_store %arg11[%swap3A], %add3A_526 {strides = array<i32>} : memref<2048xi32, #tpu.memory_space<vmem>>, vector<16xi32>,
    }
    %scan3A_392 = arith.constant 8 : i32
    %dma_wait3A_393 = arith.constant 1408 : i32
    %dma_wait3A_394 = tpu.memref_slice %arg11[%dma_wait3A_393] : memref<2048xi32, #tpu.memory_space<vmem>> -> memref<128xi32, #tpu.memory_space<vmem>>
    %dma_wait3A_395 = arith.constant 0 : i32
    %dma_wait3A_396 = arith.constant 0 : i32
    %dma_wait3A_397 = tpu.memref_slice %arg5[%dma_wait3A_395, %dma_wait3A_396] : memref<22801x64xf32, #tpu.memory_space<hbm>> -> memref<22801x64xf32, #tpu.memory_space<hbm>>
    tpu.wait_indirect_dma semaphore(%arg15 : memref<!tpu.dma_semaphore, #tpu.memory_space<semaphore_mem>>) src(%dma_wait3A_397 : memref<22801x64xf32, #tpu.memory_space<hbm>>) dst(%arg14 : memref<128x64xf32, #tpu.memory_space<vmem>>)
    %add3A_398 = arith.constant 1408 : i32
    %add3A_399 = arith.addi %mul3A_2, %add3A_398 : i32
    %dma_start3A_400 = arith.constant 0 : i32
    %dma_start3A_401 = tpu.memref_slice %arg7[%add3A_399, %dma_start3A_400] : memref<65536x64xf32, #tpu.memory_space<hbm>> -> memref<128x64xf32, #tpu.memory_space<hbm>>
    %dma_start3A_402 = arith.constant 0 : i32
    %dma_start3A_403 = tpu.memref_slice %arg7[%add3A_399, %dma_start3A_402] : memref<65536x64xf32, #tpu.memory_space<hbm>> -> memref<128x64xf32, #tpu.memory_space<hbm>>
    tpu.enqueue_dma source(%arg14 : memref<128x64xf32, #tpu.memory_space<vmem>>) target(%dma_start3A_403 : memref<128x64xf32, #tpu.memory_space<hbm>>) target_semaphore(%arg17 : memref<!tpu.dma_semaphore, #tpu.memory_space<semaphore_mem>>)
    %dma_wait3A_404 = arith.constant 0 : i32
    %dma_wait3A_405 = tpu.memref_slice %arg7[%add3A_373, %dma_wait3A_404] : memref<65536x64xf32, #tpu.memory_space<hbm>> -> memref<128x64xf32, #tpu.memory_space<hbm>>
    %dma_wait3A_406 = arith.constant 0 : i32
    %dma_wait3A_407 = tpu.memref_slice %arg7[%add3A_373, %dma_wait3A_406] : memref<65536x64xf32, #tpu.memory_space<hbm>> -> memref<128x64xf32, #tpu.memory_space<hbm>>
    tpu.wait_dma2 semaphore(%arg16 : memref<!tpu.dma_semaphore, #tpu.memory_space<semaphore_mem>>) src(%arg13 : memref<128x64xf32, #tpu.memory_space<vmem>>) dst(%dma_wait3A_407 : memref<128x64xf32, #tpu.memory_space<hbm>>)
    %dma_start3A_408 = arith.constant 1536 : i32
    %dma_start3A_409 = tpu.memref_slice %arg11[%dma_start3A_408] : memref<2048xi32, #tpu.memory_space<vmem>> -> memref<128xi32, #tpu.memory_space<vmem>>
    %dma_start3A_410 = arith.constant 0 : i32
    %dma_start3A_411 = arith.constant 0 : i32
    %dma_start3A_412 = tpu.memref_slice %arg5[%dma_start3A_410, %dma_start3A_411] : memref<22801x64xf32, #tpu.memory_space<hbm>> -> memref<22801x64xf32, #tpu.memory_space<hbm>>
    tpu.enqueue_indirect_dma source(%dma_start3A_412 : memref<22801x64xf32, #tpu.memory_space<hbm>>) target(%arg13 : memref<128x64xf32, #tpu.memory_space<vmem>>) offsets(%dma_start3A_409 : memref<128xi32, #tpu.memory_space<vmem>>) semaphore(%arg15 : memref<!tpu.dma_semaphore, #tpu.memory_space<semaphore_mem>>)
    %scan3A_413 = arith.constant 0 : i32
    %scan3A_414 = arith.constant 0 : i32
    %scan3A_415 = arith.constant 8 : i32
    %scan3A_416 = arith.addi %scan3A_414, %scan3A_415 : i32
    %scan3A_417 = arith.constant 1 : i32
    scf.for %scan3A_512 = %scan3A_414 to %scan3A_416 step %scan3A_417  : i32 {
      %mul3A_513 = arith.constant 16 : i32
      %mul3A_514 = arith.muli %scan3A_512, %mul3A_513 : i32
      %add3A_515 = arith.constant 1664 : i32
      %add3A_516 = arith.addi %add3A_515, %mul3A_514 : i32
      %add3A_517 = vector.broadcast %add3A_516 : i32 to vector<16xi32>
      %add3A_518 = arith.addi %add3A_517, %iota3A : vector<16xi32>
      %gather3A_519 = tpu.vector_load_idx %arg9[%add3A_518] : memref<2048xi32, #tpu.memory_space<vmem>>[vector<16xi32>], vector<16xi32>,
      %gather3A_520 = tpu.vector_load_idx %arg10[%add3A_518] : memref<2048xi32, #tpu.memory_space<vmem>>[vector<16xi32>], vector<16xi32>,
      %gather3A_521 = tpu.vector_load_idx %arg8[%gather3A_519] : memref<4096xi32, #tpu.memory_space<vmem>>[vector<16xi32>], vector<16xi32>,
      %gather3A_522 = tpu.vector_load_idx %arg8[%gather3A_520] : memref<4096xi32, #tpu.memory_space<vmem>>[vector<16xi32>], vector<16xi32>,
      %mul3A_523 = arith.constant 151 : i32
      %mul3A_524 = vector.broadcast %mul3A_523 : i32 to vector<16xi32>
      %mul3A_525 = arith.muli %gather3A_521, %mul3A_524 : vector<16xi32>
      %add3A_526 = arith.addi %mul3A_525, %gather3A_522 : vector<16xi32>
      %mul3A_527 = arith.constant 16 : i32
      %mul3A_528 = arith.muli %scan3A_512, %mul3A_527 : i32
      %add3A_529 = arith.constant 1664 : i32
      %add3A_530 = arith.addi %add3A_529, %mul3A_528 : i32
      %swap3A = arith.index_cast %add3A_530 : i32 to index
      %swap3A_531 = tpu.vector_load %arg11[%swap3A] {strides = array<i32>} : memref<2048xi32, #tpu.memory_space<vmem>>, vector<16xi32>,
      tpu.vector_store %arg11[%swap3A], %add3A_526 {strides = array<i32>} : memref<2048xi32, #tpu.memory_space<vmem>>, vector<16xi32>,
    }
    %scan3A_418 = arith.constant 8 : i32
    %dma_wait3A_419 = arith.constant 1536 : i32
    %dma_wait3A_420 = tpu.memref_slice %arg11[%dma_wait3A_419] : memref<2048xi32, #tpu.memory_space<vmem>> -> memref<128xi32, #tpu.memory_space<vmem>>
    %dma_wait3A_421 = arith.constant 0 : i32
    %dma_wait3A_422 = arith.constant 0 : i32
    %dma_wait3A_423 = tpu.memref_slice %arg5[%dma_wait3A_421, %dma_wait3A_422] : memref<22801x64xf32, #tpu.memory_space<hbm>> -> memref<22801x64xf32, #tpu.memory_space<hbm>>
    tpu.wait_indirect_dma semaphore(%arg15 : memref<!tpu.dma_semaphore, #tpu.memory_space<semaphore_mem>>) src(%dma_wait3A_423 : memref<22801x64xf32, #tpu.memory_space<hbm>>) dst(%arg13 : memref<128x64xf32, #tpu.memory_space<vmem>>)
    %add3A_424 = arith.constant 1536 : i32
    %add3A_425 = arith.addi %mul3A_2, %add3A_424 : i32
    %dma_start3A_426 = arith.constant 0 : i32
    %dma_start3A_427 = tpu.memref_slice %arg7[%add3A_425, %dma_start3A_426] : memref<65536x64xf32, #tpu.memory_space<hbm>> -> memref<128x64xf32, #tpu.memory_space<hbm>>
    %dma_start3A_428 = arith.constant 0 : i32
    %dma_start3A_429 = tpu.memref_slice %arg7[%add3A_425, %dma_start3A_428] : memref<65536x64xf32, #tpu.memory_space<hbm>> -> memref<128x64xf32, #tpu.memory_space<hbm>>
    tpu.enqueue_dma source(%arg13 : memref<128x64xf32, #tpu.memory_space<vmem>>) target(%dma_start3A_429 : memref<128x64xf32, #tpu.memory_space<hbm>>) target_semaphore(%arg16 : memref<!tpu.dma_semaphore, #tpu.memory_space<semaphore_mem>>)
    %dma_wait3A_430 = arith.constant 0 : i32
    %dma_wait3A_431 = tpu.memref_slice %arg7[%add3A_399, %dma_wait3A_430] : memref<65536x64xf32, #tpu.memory_space<hbm>> -> memref<128x64xf32, #tpu.memory_space<hbm>>
    %dma_wait3A_432 = arith.constant 0 : i32
    %dma_wait3A_433 = tpu.memref_slice %arg7[%add3A_399, %dma_wait3A_432] : memref<65536x64xf32, #tpu.memory_space<hbm>> -> memref<128x64xf32, #tpu.memory_space<hbm>>
    tpu.wait_dma2 semaphore(%arg17 : memref<!tpu.dma_semaphore, #tpu.memory_space<semaphore_mem>>) src(%arg14 : memref<128x64xf32, #tpu.memory_space<vmem>>) dst(%dma_wait3A_433 : memref<128x64xf32, #tpu.memory_space<hbm>>)
    %dma_start3A_434 = arith.constant 1664 : i32
    %dma_start3A_435 = tpu.memref_slice %arg11[%dma_start3A_434] : memref<2048xi32, #tpu.memory_space<vmem>> -> memref<128xi32, #tpu.memory_space<vmem>>
    %dma_start3A_436 = arith.constant 0 : i32
    %dma_start3A_437 = arith.constant 0 : i32
    %dma_start3A_438 = tpu.memref_slice %arg5[%dma_start3A_436, %dma_start3A_437] : memref<22801x64xf32, #tpu.memory_space<hbm>> -> memref<22801x64xf32, #tpu.memory_space<hbm>>
    tpu.enqueue_indirect_dma source(%dma_start3A_438 : memref<22801x64xf32, #tpu.memory_space<hbm>>) target(%arg14 : memref<128x64xf32, #tpu.memory_space<vmem>>) offsets(%dma_start3A_435 : memref<128xi32, #tpu.memory_space<vmem>>) semaphore(%arg15 : memref<!tpu.dma_semaphore, #tpu.memory_space<semaphore_mem>>)
    %scan3A_439 = arith.constant 0 : i32
    %scan3A_440 = arith.constant 0 : i32
    %scan3A_441 = arith.constant 8 : i32
    %scan3A_442 = arith.addi %scan3A_440, %scan3A_441 : i32
    %scan3A_443 = arith.constant 1 : i32
    scf.for %scan3A_512 = %scan3A_440 to %scan3A_442 step %scan3A_443  : i32 {
      %mul3A_513 = arith.constant 16 : i32
      %mul3A_514 = arith.muli %scan3A_512, %mul3A_513 : i32
      %add3A_515 = arith.constant 1792 : i32
      %add3A_516 = arith.addi %add3A_515, %mul3A_514 : i32
      %add3A_517 = vector.broadcast %add3A_516 : i32 to vector<16xi32>
      %add3A_518 = arith.addi %add3A_517, %iota3A : vector<16xi32>
      %gather3A_519 = tpu.vector_load_idx %arg9[%add3A_518] : memref<2048xi32, #tpu.memory_space<vmem>>[vector<16xi32>], vector<16xi32>,
      %gather3A_520 = tpu.vector_load_idx %arg10[%add3A_518] : memref<2048xi32, #tpu.memory_space<vmem>>[vector<16xi32>], vector<16xi32>,
      %gather3A_521 = tpu.vector_load_idx %arg8[%gather3A_519] : memref<4096xi32, #tpu.memory_space<vmem>>[vector<16xi32>], vector<16xi32>,
      %gather3A_522 = tpu.vector_load_idx %arg8[%gather3A_520] : memref<4096xi32, #tpu.memory_space<vmem>>[vector<16xi32>], vector<16xi32>,
      %mul3A_523 = arith.constant 151 : i32
      %mul3A_524 = vector.broadcast %mul3A_523 : i32 to vector<16xi32>
      %mul3A_525 = arith.muli %gather3A_521, %mul3A_524 : vector<16xi32>
      %add3A_526 = arith.addi %mul3A_525, %gather3A_522 : vector<16xi32>
      %mul3A_527 = arith.constant 16 : i32
      %mul3A_528 = arith.muli %scan3A_512, %mul3A_527 : i32
      %add3A_529 = arith.constant 1792 : i32
      %add3A_530 = arith.addi %add3A_529, %mul3A_528 : i32
      %swap3A = arith.index_cast %add3A_530 : i32 to index
      %swap3A_531 = tpu.vector_load %arg11[%swap3A] {strides = array<i32>} : memref<2048xi32, #tpu.memory_space<vmem>>, vector<16xi32>,
      tpu.vector_store %arg11[%swap3A], %add3A_526 {strides = array<i32>} : memref<2048xi32, #tpu.memory_space<vmem>>, vector<16xi32>,
    }
    %scan3A_444 = arith.constant 8 : i32
    %dma_wait3A_445 = arith.constant 1664 : i32
    %dma_wait3A_446 = tpu.memref_slice %arg11[%dma_wait3A_445] : memref<2048xi32, #tpu.memory_space<vmem>> -> memref<128xi32, #tpu.memory_space<vmem>>
    %dma_wait3A_447 = arith.constant 0 : i32
    %dma_wait3A_448 = arith.constant 0 : i32
    %dma_wait3A_449 = tpu.memref_slice %arg5[%dma_wait3A_447, %dma_wait3A_448] : memref<22801x64xf32, #tpu.memory_space<hbm>> -> memref<22801x64xf32, #tpu.memory_space<hbm>>
    tpu.wait_indirect_dma semaphore(%arg15 : memref<!tpu.dma_semaphore, #tpu.memory_space<semaphore_mem>>) src(%dma_wait3A_449 : memref<22801x64xf32, #tpu.memory_space<hbm>>) dst(%arg14 : memref<128x64xf32, #tpu.memory_space<vmem>>)
    %add3A_450 = arith.constant 1664 : i32
    %add3A_451 = arith.addi %mul3A_2, %add3A_450 : i32
    %dma_start3A_452 = arith.constant 0 : i32
    %dma_start3A_453 = tpu.memref_slice %arg7[%add3A_451, %dma_start3A_452] : memref<65536x64xf32, #tpu.memory_space<hbm>> -> memref<128x64xf32, #tpu.memory_space<hbm>>
    %dma_start3A_454 = arith.constant 0 : i32
    %dma_start3A_455 = tpu.memref_slice %arg7[%add3A_451, %dma_start3A_454] : memref<65536x64xf32, #tpu.memory_space<hbm>> -> memref<128x64xf32, #tpu.memory_space<hbm>>
    tpu.enqueue_dma source(%arg14 : memref<128x64xf32, #tpu.memory_space<vmem>>) target(%dma_start3A_455 : memref<128x64xf32, #tpu.memory_space<hbm>>) target_semaphore(%arg17 : memref<!tpu.dma_semaphore, #tpu.memory_space<semaphore_mem>>)
    %dma_wait3A_456 = arith.constant 0 : i32
    %dma_wait3A_457 = tpu.memref_slice %arg7[%add3A_425, %dma_wait3A_456] : memref<65536x64xf32, #tpu.memory_space<hbm>> -> memref<128x64xf32, #tpu.memory_space<hbm>>
    %dma_wait3A_458 = arith.constant 0 : i32
    %dma_wait3A_459 = tpu.memref_slice %arg7[%add3A_425, %dma_wait3A_458] : memref<65536x64xf32, #tpu.memory_space<hbm>> -> memref<128x64xf32, #tpu.memory_space<hbm>>
    tpu.wait_dma2 semaphore(%arg16 : memref<!tpu.dma_semaphore, #tpu.memory_space<semaphore_mem>>) src(%arg13 : memref<128x64xf32, #tpu.memory_space<vmem>>) dst(%dma_wait3A_459 : memref<128x64xf32, #tpu.memory_space<hbm>>)
    %dma_start3A_460 = arith.constant 1792 : i32
    %dma_start3A_461 = tpu.memref_slice %arg11[%dma_start3A_460] : memref<2048xi32, #tpu.memory_space<vmem>> -> memref<128xi32, #tpu.memory_space<vmem>>
    %dma_start3A_462 = arith.constant 0 : i32
    %dma_start3A_463 = arith.constant 0 : i32
    %dma_start3A_464 = tpu.memref_slice %arg5[%dma_start3A_462, %dma_start3A_463] : memref<22801x64xf32, #tpu.memory_space<hbm>> -> memref<22801x64xf32, #tpu.memory_space<hbm>>
    tpu.enqueue_indirect_dma source(%dma_start3A_464 : memref<22801x64xf32, #tpu.memory_space<hbm>>) target(%arg13 : memref<128x64xf32, #tpu.memory_space<vmem>>) offsets(%dma_start3A_461 : memref<128xi32, #tpu.memory_space<vmem>>) semaphore(%arg15 : memref<!tpu.dma_semaphore, #tpu.memory_space<semaphore_mem>>)
    %scan3A_465 = arith.constant 0 : i32
    %scan3A_466 = arith.constant 0 : i32
    %scan3A_467 = arith.constant 8 : i32
    %scan3A_468 = arith.addi %scan3A_466, %scan3A_467 : i32
    %scan3A_469 = arith.constant 1 : i32
    scf.for %scan3A_512 = %scan3A_466 to %scan3A_468 step %scan3A_469  : i32 {
      %mul3A_513 = arith.constant 16 : i32
      %mul3A_514 = arith.muli %scan3A_512, %mul3A_513 : i32
      %add3A_515 = arith.constant 1920 : i32
      %add3A_516 = arith.addi %add3A_515, %mul3A_514 : i32
      %add3A_517 = vector.broadcast %add3A_516 : i32 to vector<16xi32>
      %add3A_518 = arith.addi %add3A_517, %iota3A : vector<16xi32>
      %gather3A_519 = tpu.vector_load_idx %arg9[%add3A_518] : memref<2048xi32, #tpu.memory_space<vmem>>[vector<16xi32>], vector<16xi32>,
      %gather3A_520 = tpu.vector_load_idx %arg10[%add3A_518] : memref<2048xi32, #tpu.memory_space<vmem>>[vector<16xi32>], vector<16xi32>,
      %gather3A_521 = tpu.vector_load_idx %arg8[%gather3A_519] : memref<4096xi32, #tpu.memory_space<vmem>>[vector<16xi32>], vector<16xi32>,
      %gather3A_522 = tpu.vector_load_idx %arg8[%gather3A_520] : memref<4096xi32, #tpu.memory_space<vmem>>[vector<16xi32>], vector<16xi32>,
      %mul3A_523 = arith.constant 151 : i32
      %mul3A_524 = vector.broadcast %mul3A_523 : i32 to vector<16xi32>
      %mul3A_525 = arith.muli %gather3A_521, %mul3A_524 : vector<16xi32>
      %add3A_526 = arith.addi %mul3A_525, %gather3A_522 : vector<16xi32>
      %mul3A_527 = arith.constant 16 : i32
      %mul3A_528 = arith.muli %scan3A_512, %mul3A_527 : i32
      %add3A_529 = arith.constant 1920 : i32
      %add3A_530 = arith.addi %add3A_529, %mul3A_528 : i32
      %swap3A = arith.index_cast %add3A_530 : i32 to index
      %swap3A_531 = tpu.vector_load %arg11[%swap3A] {strides = array<i32>} : memref<2048xi32, #tpu.memory_space<vmem>>, vector<16xi32>,
      tpu.vector_store %arg11[%swap3A], %add3A_526 {strides = array<i32>} : memref<2048xi32, #tpu.memory_space<vmem>>, vector<16xi32>,
    }
    %scan3A_470 = arith.constant 8 : i32
    %dma_wait3A_471 = arith.constant 1792 : i32
    %dma_wait3A_472 = tpu.memref_slice %arg11[%dma_wait3A_471] : memref<2048xi32, #tpu.memory_space<vmem>> -> memref<128xi32, #tpu.memory_space<vmem>>
    %dma_wait3A_473 = arith.constant 0 : i32
    %dma_wait3A_474 = arith.constant 0 : i32
    %dma_wait3A_475 = tpu.memref_slice %arg5[%dma_wait3A_473, %dma_wait3A_474] : memref<22801x64xf32, #tpu.memory_space<hbm>> -> memref<22801x64xf32, #tpu.memory_space<hbm>>
    tpu.wait_indirect_dma semaphore(%arg15 : memref<!tpu.dma_semaphore, #tpu.memory_space<semaphore_mem>>) src(%dma_wait3A_475 : memref<22801x64xf32, #tpu.memory_space<hbm>>) dst(%arg13 : memref<128x64xf32, #tpu.memory_space<vmem>>)
    %add3A_476 = arith.constant 1792 : i32
    %add3A_477 = arith.addi %mul3A_2, %add3A_476 : i32
    %dma_start3A_478 = arith.constant 0 : i32
    %dma_start3A_479 = tpu.memref_slice %arg7[%add3A_477, %dma_start3A_478] : memref<65536x64xf32, #tpu.memory_space<hbm>> -> memref<128x64xf32, #tpu.memory_space<hbm>>
    %dma_start3A_480 = arith.constant 0 : i32
    %dma_start3A_481 = tpu.memref_slice %arg7[%add3A_477, %dma_start3A_480] : memref<65536x64xf32, #tpu.memory_space<hbm>> -> memref<128x64xf32, #tpu.memory_space<hbm>>
    tpu.enqueue_dma source(%arg13 : memref<128x64xf32, #tpu.memory_space<vmem>>) target(%dma_start3A_481 : memref<128x64xf32, #tpu.memory_space<hbm>>) target_semaphore(%arg16 : memref<!tpu.dma_semaphore, #tpu.memory_space<semaphore_mem>>)
    %dma_wait3A_482 = arith.constant 0 : i32
    %dma_wait3A_483 = tpu.memref_slice %arg7[%add3A_451, %dma_wait3A_482] : memref<65536x64xf32, #tpu.memory_space<hbm>> -> memref<128x64xf32, #tpu.memory_space<hbm>>
    %dma_wait3A_484 = arith.constant 0 : i32
    %dma_wait3A_485 = tpu.memref_slice %arg7[%add3A_451, %dma_wait3A_484] : memref<65536x64xf32, #tpu.memory_space<hbm>> -> memref<128x64xf32, #tpu.memory_space<hbm>>
    tpu.wait_dma2 semaphore(%arg17 : memref<!tpu.dma_semaphore, #tpu.memory_space<semaphore_mem>>) src(%arg14 : memref<128x64xf32, #tpu.memory_space<vmem>>) dst(%dma_wait3A_485 : memref<128x64xf32, #tpu.memory_space<hbm>>)
    %dma_start3A_486 = arith.constant 1920 : i32
    %dma_start3A_487 = tpu.memref_slice %arg11[%dma_start3A_486] : memref<2048xi32, #tpu.memory_space<vmem>> -> memref<128xi32, #tpu.memory_space<vmem>>
    %dma_start3A_488 = arith.constant 0 : i32
    %dma_start3A_489 = arith.constant 0 : i32
    %dma_start3A_490 = tpu.memref_slice %arg5[%dma_start3A_488, %dma_start3A_489] : memref<22801x64xf32, #tpu.memory_space<hbm>> -> memref<22801x64xf32, #tpu.memory_space<hbm>>
    tpu.enqueue_indirect_dma source(%dma_start3A_490 : memref<22801x64xf32, #tpu.memory_space<hbm>>) target(%arg14 : memref<128x64xf32, #tpu.memory_space<vmem>>) offsets(%dma_start3A_487 : memref<128xi32, #tpu.memory_space<vmem>>) semaphore(%arg15 : memref<!tpu.dma_semaphore, #tpu.memory_space<semaphore_mem>>)
    %dma_wait3A_491 = arith.constant 1920 : i32
    %dma_wait3A_492 = tpu.memref_slice %arg11[%dma_wait3A_491] : memref<2048xi32, #tpu.memory_space<vmem>> -> memref<128xi32, #tpu.memory_space<vmem>>
    %dma_wait3A_493 = arith.constant 0 : i32
    %dma_wait3A_494 = arith.constant 0 : i32
    %dma_wait3A_495 = tpu.memref_slice %arg5[%dma_wait3A_493, %dma_wait3A_494] : memref<22801x64xf32, #tpu.memory_space<hbm>> -> memref<22801x64xf32, #tpu.memory_space<hbm>>
    tpu.wait_indirect_dma semaphore(%arg15 : memref<!tpu.dma_semaphore, #tpu.memory_space<semaphore_mem>>) src(%dma_wait3A_495 : memref<22801x64xf32, #tpu.memory_space<hbm>>) dst(%arg14 : memref<128x64xf32, #tpu.memory_space<vmem>>)
    %add3A_496 = arith.constant 1920 : i32
    %add3A_497 = arith.addi %mul3A_2, %add3A_496 : i32
    %dma_start3A_498 = arith.constant 0 : i32
    %dma_start3A_499 = tpu.memref_slice %arg7[%add3A_497, %dma_start3A_498] : memref<65536x64xf32, #tpu.memory_space<hbm>> -> memref<128x64xf32, #tpu.memory_space<hbm>>
    %dma_start3A_500 = arith.constant 0 : i32
    %dma_start3A_501 = tpu.memref_slice %arg7[%add3A_497, %dma_start3A_500] : memref<65536x64xf32, #tpu.memory_space<hbm>> -> memref<128x64xf32, #tpu.memory_space<hbm>>
    tpu.enqueue_dma source(%arg14 : memref<128x64xf32, #tpu.memory_space<vmem>>) target(%dma_start3A_501 : memref<128x64xf32, #tpu.memory_space<hbm>>) target_semaphore(%arg17 : memref<!tpu.dma_semaphore, #tpu.memory_space<semaphore_mem>>)
    %dma_wait3A_502 = arith.constant 0 : i32
    %dma_wait3A_503 = tpu.memref_slice %arg7[%add3A_477, %dma_wait3A_502] : memref<65536x64xf32, #tpu.memory_space<hbm>> -> memref<128x64xf32, #tpu.memory_space<hbm>>
    %dma_wait3A_504 = arith.constant 0 : i32
    %dma_wait3A_505 = tpu.memref_slice %arg7[%add3A_477, %dma_wait3A_504] : memref<65536x64xf32, #tpu.memory_space<hbm>> -> memref<128x64xf32, #tpu.memory_space<hbm>>
    tpu.wait_dma2 semaphore(%arg16 : memref<!tpu.dma_semaphore, #tpu.memory_space<semaphore_mem>>) src(%arg13 : memref<128x64xf32, #tpu.memory_space<vmem>>) dst(%dma_wait3A_505 : memref<128x64xf32, #tpu.memory_space<hbm>>)
    %dma_wait3A_506 = arith.constant 0 : i32
    %dma_wait3A_507 = tpu.memref_slice %arg7[%add3A_497, %dma_wait3A_506] : memref<65536x64xf32, #tpu.memory_space<hbm>> -> memref<128x64xf32, #tpu.memory_space<hbm>>
    %dma_wait3A_508 = arith.constant 0 : i32
    %dma_wait3A_509 = tpu.memref_slice %arg7[%add3A_497, %dma_wait3A_508] : memref<65536x64xf32, #tpu.memory_space<hbm>> -> memref<128x64xf32, #tpu.memory_space<hbm>>
    tpu.wait_dma2 semaphore(%arg17 : memref<!tpu.dma_semaphore, #tpu.memory_space<semaphore_mem>>) src(%arg14 : memref<128x64xf32, #tpu.memory_space<vmem>>) dst(%dma_wait3A_509 : memref<128x64xf32, #tpu.memory_space<hbm>>)
    %dma_wait3A_510 = tpu.memref_slice %arg6[%mul3A_93] : memref<618496xf32, #tpu.memory_space<hbm>> -> memref<19328xf32, #tpu.memory_space<hbm>>
    %dma_wait3A_511 = tpu.memref_slice %arg6[%mul3A_93] : memref<618496xf32, #tpu.memory_space<hbm>> -> memref<19328xf32, #tpu.memory_space<hbm>>
    tpu.wait_dma2 semaphore(%arg18 : memref<!tpu.dma_semaphore, #tpu.memory_space<semaphore_mem>>) src(%arg12 : memref<19328xf32, #tpu.memory_space<vmem>>) dst(%dma_wait3A_511 : memref<19328xf32, #tpu.memory_space<hbm>>)
    return
  }
}

</mosaic_0001>

<sc_bundles>
// kernel: kernel.3.cloned.1.call-start
scs
__scs_entry_jumppad:
0x0: {  	(pc) =	sbr.rel $0x88, $3  }
0x1: {  	(tag) =	ssettag $0x0;
	lr =	simm.s32 $0x1  }
0x2: {  	[smem:$0x3F9E] =	sst lr;
	_ =	strace $0xD0000000  }
0x3: {  	_ = 	snop  }
0x4: {  	_ = 	snop  }
0x5: {  	_ = 	snop  }
0x6: {  	_ = 	snop  }
0x7: {  	_ = 	snop  }
__scs_overlays_trampoline_lowered:
0x8: {  	[smem:$0x3FAD] =	sst s0  }
0x9: {  	[smem:$0x3FAE] =	sst s1  }
0xa: {  	[smem:$0x3FAF] =	sst s2  }
0xb: {  	[smem:$0x3FB0] =	sst s3  }
0xc: {  	[smem:$0x3FB1] =	sst s4  }
0xd: {  	[smem:$0x3FB2] =	sst s5  }
0xe: {  	[smem:$0x3FB3] =	sst s6  }
0xf: {  	[smem:$0x3FB4] =	sst s7  }
0x10: {  	[smem:$0x3FB5] =	sst s8  }
0x11: {  	[smem:$0x3FB6] =	sst s9;
	s0 =	simm.s32 @!p0 $0x0  }
0x12: {  	s1 =	sld [smem:$0x3F9C];
	s0 =	simm.s32 @p0 $0x1  }
0x13: {  	[smem:$0x3FB7] =	sst s0;
	s0 =	simm.s32 @!p1 $0x0  }
0x14: {  	s2 =	sld [smem:$0x3F9B];
	s0 =	simm.s32 @p1 $0x1  }
0x15: {  	[smem:$0x3FB8] =	sst s0;
	s0 =	simm.s32 @!p2 $0x0  }
0x16: {  	s3 =	sld [smem:$0x3FDB];
	s0 =	simm.s32 @p2 $0x1  }
0x17: {  	s4 =	simm.s32 $0x1BF5;
	[smem:$0x3FBA] =	sst s0  }
0x18: {  	s0 =	sld [smem:$0x3F9D];
	_ =	swait.ge [sflag:s4], $0x0  }
0x19: {  	s7 =	sld [smem:$0x3F9E]  }
0x1a: {  	s8 =	sadd.s32 $0xFFFFE003, lr  }
0x1b: {  	s9 =	sadd.s32 $0xFFFFFEF7, lr;
	s5 =	simm.s32 $0xFFFFFFFF;
	p2 =	slt.u32 s8, $0xFFFFF086  }
0x1c: {  	p1 =	slt.u32 s9, $0xF7A;
	s5 =	simm.s32 @!p2 $0x0  }
0x1d: {  	s5 =	simm.s32 @p1 $0x1;
	p0 =	seq.s32 s7, s2  }
0x1e: {  	s7 =	smul.u32 @!p0 $0xF7A, s2;
	p2 =	seq.s32 @!p0 s5, $0x0  }
0x1f: {  	s9 =	smul.u32 $0xF7A, s1;
	s8 =	simm.s32 @!p0 $0x1BF5;
	p2 =	por !p2, p0  }
0x20: {  	[sflag:s8] =	ssyncset.s32 @!p0 $0xFFFFF086;
	s6 =	sadd.s32 @!p0 s3, s7;
	s7 =	simm.s32 @!p0 $0x108  }
0x21: {  	s3 =	sadd.s32 s3, s9;
	s6 =	sadd.s32 @!p0 $0x88, s6;
	s7 =	simm.s32 @p2 $0x1082  }
0x22: {  	[simem:s7], [sflag:s8] =	dma.local @!p0 [hbm:s6], $0xF7A  }
0x23: {  	s9 =	sor.u32 $0xD0000000, s2;
	s6 =	simm.s32 $0x108;
	_ =	swait.ge @!p0 [sflag:s8], $0x0  }
0x24: {  	s3 =	sadd.s32 $0x88, s3;
	s6 =	simm.s32 @!p1 $0x1082;
	[sflag:s4] =	ssyncset.s32 $0xFFFFF086  }
0x25: {  	[simem:s6], [sflag:s4] =	dma.local [hbm:s3], $0xF7A  }
0x26: {  	[smem:$0x3F9E] =	sst s1;
	(tag) =	ssettag s2;
	_ =	strace s9  }
0x27: {  	s1 =	sld [smem:$0x3FAE]  }
0x28: {  	s2 =	sld [smem:$0x3FAF]  }
0x29: {  	s4 =	sld [smem:$0x3FB1]  }
0x2a: {  	p0 =	seq.s32 s5, $0x0;
	s5 =	sld [smem:$0x3FB2]  }
0x2b: {  	s6 =	sld [smem:$0x3FB3]  }
0x2c: {  	s7 =	sld [smem:$0x3FB4]  }
0x2d: {  	s3 =	simm.s32 $0x108;
	s8 =	sld [smem:$0x3FB5]  }
0x2e: {  	s3 =	simm.s32 @!p0 $0x1082;
	s9 =	sld [smem:$0x3FB6]  }
0x2f: {  	lr =	sadd.s32 s0, s3;
	s0 =	sld [smem:$0x3FAD]  }
0x30: {  	s3 =	sld [smem:$0x3FB0]  }
0x31: {  	[smem:$0x3FB9] =	sst s10  }
0x32: {  	s10 =	sld [smem:$0x3FB7];
	_ =	sdelay $0x3  }
0x33: {  	p0 =	seq.s32 s10, $0x1;
	s10 =	sld [smem:$0x3FB9];
	_ =	sdelay $0x3  }
0x34: {  	[smem:$0x3FB9] =	sst s10  }
0x35: {  	s10 =	sld [smem:$0x3FB8];
	_ =	sdelay $0x3  }
0x36: {  	p1 =	seq.s32 s10, $0x1;
	s10 =	sld [smem:$0x3FB9];
	_ =	sdelay $0x3  }
0x37: {  	[smem:$0x3FB9] =	sst s10  }
0x38: {  	s10 =	sld [smem:$0x3FBA]  }
0x39: {  	_ = 	snop;
	(pc) =	sbr.ind lr, $3  }
0x3a: {  	_ = 	snop  }
0x3b: {  	_ = 	snop  }
0x3c: {  	p2 =	seq.s32 s10, $0x1;
	s10 =	sld [smem:$0x3FB9]  }
0x3d: {  	_ =	shalt  }
0x3e: {  	_ =	shalt  }
0x3f: {  	_ =	shalt  }
0x40: {  	_ =	shalt  }
0x41: {  	_ =	shalt  }
0x42: {  	_ =	shalt  }
0x43: {  	_ =	shalt  }
0x44: {  	_ =	shalt  }
0x45: {  	_ =	shalt  }
0x46: {  	_ =	shalt  }
0x47: {  	_ =	shalt  }
0x48: {  	_ =	shalt  }
0x49: {  	_ =	shalt  }
0x4a: {  	_ =	shalt  }
0x4b: {  	_ =	shalt  }
0x4c: {  	_ =	shalt  }
0x4d: {  	_ =	shalt  }
0x4e: {  	_ =	shalt  }
0x4f: {  	_ =	shalt  }
0x50: {  	_ =	shalt  }
0x51: {  	_ =	shalt  }
0x52: {  	_ =	shalt  }
0x53: {  	_ =	shalt  }
0x54: {  	_ =	shalt  }
0x55: {  	_ =	shalt  }
0x56: {  	_ =	shalt  }
0x57: {  	_ =	shalt  }
0x58: {  	_ =	shalt  }
0x59: {  	_ =	shalt  }
0x5a: {  	_ =	shalt  }
0x5b: {  	_ =	shalt  }
0x5c: {  	_ =	shalt  }
0x5d: {  	_ =	shalt  }
0x5e: {  	_ =	shalt  }
0x5f: {  	_ =	shalt  }
0x60: {  	_ =	shalt  }
0x61: {  	_ =	shalt  }
0x62: {  	_ =	shalt  }
0x63: {  	_ =	shalt  }
0x64: {  	_ =	shalt  }
0x65: {  	_ =	shalt  }
0x66: {  	_ =	shalt  }
0x67: {  	_ =	shalt  }
0x68: {  	_ =	shalt  }
0x69: {  	_ =	shalt  }
0x6a: {  	_ =	shalt  }
0x6b: {  	_ =	shalt  }
0x6c: {  	_ =	shalt  }
0x6d: {  	_ =	shalt  }
0x6e: {  	_ =	shalt  }
0x6f: {  	_ =	shalt  }
0x70: {  	_ =	shalt  }
0x71: {  	_ =	shalt  }
0x72: {  	_ =	shalt  }
0x73: {  	_ =	shalt  }
0x74: {  	_ =	shalt  }
0x75: {  	_ =	shalt  }
0x76: {  	_ =	shalt  }
0x77: {  	_ =	shalt  }
0x78: {  	_ =	shalt  }
0x79: {  	_ =	shalt  }
0x7a: {  	_ =	shalt  }
0x7b: {  	_ =	shalt  }
0x7c: {  	_ =	shalt  }
0x7d: {  	_ =	shalt  }
0x7e: {  	_ =	shalt  }
0x7f: {  	_ =	shalt  }
0x80: {  	_ =	shalt  }
0x81: {  	_ =	shalt  }
0x82: {  	_ =	shalt  }
0x83: {  	_ =	shalt  }
0x84: {  	_ =	shalt  }
0x85: {  	_ =	shalt  }
0x86: {  	_ =	shalt  }
0x87: {  	_ =	shalt  }
.Lfunc_end0:
.L_simem_size_0:
called_computation_lowered:
.L_overlay_start_0:
0x88: {  	s2 =	sld [smem:$0x3FD9]  }
0x89: {  	s3 =	sld [smem:$0x3FFE];
	_ =	sdelay $0x1  }
0x8a: {  	s1 =	srdreg.scid  }
0x8b: {  	s0 =	sand.u32 $0x1, s1  }
0x8c: {  	s14 =	sshll.u32 s0, $0xA;
	s2 =	sadd.s32 s3, s2  }
0x8d: {  	s2 =	sadd.s32 s2, s14  }
0x8e: {  	[smem:$0x3FC5] =	sst s2  }
0x8f: {  	_ = 	snop  }
0x90: {  	s2 =	sld [smem:$0x3FD0];
	_ =	sdelay $0x2  }
0x91: {  	s4 =	simm.s32 $0xA;
	s5 =	simm.s32 $0x10;
	s15 =	sld [smem:$0x3FC9]  }
0x92: {  	[smem:s5], [sflag:s4] =	dma.local [hbm:s2], $0x1  }
0x93: {  	_ =	swait.eq [sflag:s4], $0x1  }
0x94: {  	[sflag:s4] =	ssyncset.done $0x0  }
0x95: {  	s16 =	sld [smem:$0x10];
	[sflag:s4] =	ssyncadd.s32 $0xFFFFFFFF  }
0x96: {  	s17 =	sld [smem:$0x11];
	(tm) =	ssettm $0x1  }
0x97: {  	s18 =	sld [smem:$0x3FFB];
	_ =	sdelay $0x3  }
0x98: {  	_ =	strace s18  }
0x99: {  	s5 =	sld [smem:$0x3FFC];
	_ =	sdelay $0x3  }
0x9a: {  	_ =	strace s5  }
0x9b: {  	s5 =	sld [smem:$0x3FFD];
	_ =	sdelay $0x3  }
0x9c: {  	_ =	strace s5  }
0x9d: {  	_ =	strace $0x8FFFFFFF  }
0x9e: {  	s19 =	sld [smem:$0x3FDB];
	_ =	sdelay $0x1  }
0x9f: {  	s6 =	simm.s32 $_scs_section_size  }
0xa0: {  	s7 =	simm.s32 $_size__tile_overlayer_lowered;
	s8 =	simm.s32 $_tile_overlayer_lowered  }
0xa1: {  	s22 =	simm.s32 $0x1BFF;
	s21 =	sshll.u32 s8, $0x1;
	s5 =	sadd.s32 s6, s19  }
0xa2: {  	s9 =	simm.s32 $0x0;
	s20 =	sshll.u32 s7, $0x1;
	s7 =	sadd.s32 s21, s5  }
0xa3: {  	[timem:s9], [sflag:s22] =	dma.local [hbm:s7], s20  }
0xa4: {  	_ =	swait.ge [sflag:s22], s20  }
0xa5: {  	s6 =	ssub.s32 $0x0, s20;
	[sflag:s22] =	ssyncset.done $0x0  }
0xa6: {  	[sflag:s22] =	ssyncadd.s32 s6;
	_ =	sdelay $0x1  }
0xa7: {  	s23 =	simm.s32 $0x1B8B  }
0xa8: {  	_ =	swait.ge [sflag:s23], $0x1  }
0xa9: {  	[sflag:s23] =	ssyncset.done $0x0  }
0xaa: {  	s25 =	simm.s32 $0x1B8E;
	s24 =	sld [smem:$0x3FFE];
	[sflag:s23] =	ssyncadd.s32 $0xFFFFFFFF  }
0xab: {  	s26 =	simm.s32 $execute0_lowered;
	[smem:$0x3FD2] =	sst s25  }
0xac: {  	s7 =	sshll.u32 s26, $0x1;
	_ =	strace $0x80000046;
	[dreg:$0x1] =	wrdreg $0xFFFFFFFF  }
0xad: {  	s28 =	simm.s32 $_size_execute0_lowered;
	s5 =	sadd.s32 s5, s7;
	[dreg:$0x0] =	wrdreg $0x0  }
0xae: {  	s7 =	sshll.u32 s28, $0x1;
	[dreg:$0x2] =	wrdreg s5  }
0xaf: {  	[dreg:$0x3] =	wrdreg s7  }
0xb0: {  	[dreg:$0x4] =	wrdreg $0xC0  }
0xb1: {  	_ =	task [dreg:s9], $0x5FFFF  }
0xb2: {  	[dreg:$0x1] =	wrdreg $0xFFFFFFFF  }
0xb3: {  	[dreg:$0x0] =	wrdreg $0x60  }
0xb4: {  	[dreg:$0x2] =	wrdreg s15  }
0xb5: {  	[dreg:$0x3] =	wrdreg s24  }
0xb6: {  	[dreg:$0x4] =	wrdreg s17  }
0xb7: {  	[dreg:$0x5] =	wrdreg s16  }
0xb8: {  	[dreg:$0x6] =	wrdreg $0x9  }
0xb9: {  	_ =	task.clear_ibuf [dreg:s9], $0x7FFFF;
	_ =	strace $0x90000046  }
0xba: {  	s29 =	simm.s32 $0x9;
	_ =	strace $0x80000048  }
0xbb: {  	_ =	swait.ge [sflag:s29], $0x1  }
0xbc: {  	[sflag:s29] =	ssyncadd.s32 $0xFFFFFFFF  }
0xbd: {  	_ =	strace $0x90000048  }
0xbe: {  	_ =	sfence  }
0xbf: {  	s30 =	sld [smem:$0x0];
	_ =	sdelay $0x2  }
0xc0: {  	s31 =	sshll.u32 s1, $0xD;
	s1 =	sshrl.u32 s1, $0x2  }
0xc1: {  	s3 =	sand.u32 $0x4000, s31;
	s1 =	sadd.s32 s1, s30  }
0xc2: {  	s0 =	sor.u32 s3, s0;
	s1 =	sshll.u32 s1, $0x11  }
0xc3: {  	s0 =	sor.u32 s1, s0  }
0xc4: {  	s0 =	sadd.s32 $0x8F2B, s0  }
0xc5: {  	[sflag:s0] =	ssyncadd.remote.s32 $0x1  }
0xc6: {  	_ =	sfence.sel $0xFFFF  }
0xc7: {  	[dreg:$0x0] =	wrdreg $0xFFFFFFFF;
	(pc) =	sbr.abs _section_cstart, $3  }
0xc8: {  	[dreg:$0x1] =	wrdreg $0xFFFFFFFF  }
0xc9: {  	_ =	task.clear_ibuf [dreg:s9], $0x2FFFF;
	_ =	strace $0x9FFFFFFF  }
0xca: {  	(tm) =	ssettm $0x7FFFFFFF  }
0xcb: {  	_ =	shalt  }
tec
execute0_lowered:
.L_overlay_start_1:
0x0: {  	(tag) =	ssettag $0x1  }
0x1: {  	s0 =	rddreg [dreg:$0x1]  }
0x2: {  	s3 =	rddreg [dreg:$0x2];
	s1 =	srdreg.scid  }
0x3: {  	s4 =	stileid.u32;
	s2 =	rddreg [dreg:$0x3];
	s28 =	simm.s32 $0x1800  }
0x4: {  	s29 =	simm.s32 $0x2800;
	s31 =	simm.s32 $0x7380;
	s30 =	simm.s32 $0x9380  }
0x5: {  	s1 =	sand.u32 $0x1, s1;
	s5 =	sshll.u32 s4, $0x1;
	s4 =	simm.s32 $0x0  }
0x6: {  	s5 =	sor.u32 s1, s5;
	[smem:$0x7FF] =	sst s4;
	s1 =	ssub.s32 $0x2, s1  }
0x7: {  	s6 =	sshll.u32 s5, $0x8;
	_ =	strace $0x80000047;
	s7 =	sshll.u32 s5, $0xE  }
0x8: {  	s8 =	sshrl.u32 s1, $0x1;
	s9 =	smul.u32 $0x970, s5;
	s6 =	sadd.s32 s6, s0  }
0x9: {  	s0 =	sadd.s32 s7, s0;
	s1 =	ssub.s32 s1, s8;
	s8 =	sshll.u32 s5, $0x7  }
0xa: {  	s5 =	simm.s32 $0x3;
	s7 =	simm.s32 $0x0;
	s26 =	sadd.s32 $0x2C00, s6  }
0xb: {  	s6 =	sadd.s32 $0xC00, s6;
	s2 =	sadd.s32 s2, s9;
	s25 =	sadd.s32 $0x4C00, s0  }
0xc: {  	v0 =	vlaneseq.u32;
	v10 =	vimm.f32 $0.0e+00;
	s10 =	sadd.s32 $0x5400, s0;
	s11 =	sadd.s32 $0x5800, s0;
	s12 =	sadd.s32 $0x5C00, s0  }
0xd: {  	v11 =	vimm.f32 $1.000000000e+00;
	v2 =	vor.u32 $0x10, v0;
	v3 =	vor.u32 $0x20, v0;
	s13 =	sadd.s32 $0x6000, s0;
	s14 =	sadd.s32 $0x6400, s0;
	s15 =	sadd.s32 $0x6800, s0  }
0xe: {  	v4 =	vor.u32 $0x30, v0;
	v5 =	vor.u32 $0x40, v0;
	v6 =	vmul.u32 $0x97, v0;
	s16 =	sadd.s32 $0x6C00, s0;
	s17 =	sadd.s32 $0x7000, s0;
	s18 =	sadd.s32 $0x7400, s0  }
0xf: {  	v7 =	vor.u32 $0x50, v0;
	v8 =	vor.u32 $0x60, v0;
	v9 =	vor.u32 $0x70, v0;
	s19 =	sadd.s32 $0x7800, s0;
	s20 =	sadd.s32 $0x7C00, s0;
	[dreg:$0x5] =	wrdreg s26  }
0x10: {  	v12 =	vadd.s32 $0x970, v6;
	v13 =	vadd.s32 $0x12E0, v6;
	v14 =	vadd.s32 $0x1C50, v6;
	s21 =	sadd.s32 $0x8000, s0;
	s22 =	sadd.s32 $0x8400, s0;
	[dreg:$0x6] =	wrdreg s6  }
0x11: {  	v15 =	vadd.s32 $0x25C0, v6;
	v16 =	vadd.s32 $0x2F30, v6;
	v17 =	vadd.s32 $0x38A0, v6;
	s23 =	sadd.s32 $0x8800, s0;
	s24 =	smax.u32 s1, $0x1;
	[dreg:$0x7] =	wrdreg s2  }
0x12: {  	v18 =	vadd.s32 $0x4210, v6;
	v1 =	vor.u32 s8, v0;
	v2 =	vor.u32 s8, v2;
	s1 =	simm.s32 $0x2;
	[dreg:$0x8] =	wrdreg s25;
	s26 =	sadd.s32 $0x5000, s0  }
0x13: {  	v3 =	vor.u32 s8, v3;
	v4 =	vor.u32 s8, v4;
	v5 =	vor.u32 s8, v5;
	s25 =	simm.s32 $0x5;
	s2 =	simm.s32 $0x1;
	s0 =	simm.s32 $0x80  }
0x14: {  	v7 =	vor.u32 s8, v7;
	v8 =	vor.u32 s8, v8;
	v9 =	vor.u32 s8, v9;
	s6 =	simm.s32 $0x4;
	[dreg:$0x9] =	wrdreg s26;
	s26 =	simm.s32 $0x1000  }
.LBB2_1:
0x15: {  	s8 =	rddreg [dreg:$0x0]  }
0x16: {  	[tilespmem:s4], [sflag:$0x5] =	stream.linear.gather [hbm4b:s8+s4], $0x1000, $0x38;
	[tilespmem:$0xB380] =	vst v63  }
0x17: {  	_ =	swait.ge [sflag:s25], $0x1000  }
0x18: {  	[sflag:s25] =	ssyncset.done $0x0  }
0x19: {  	s9 =	rddreg [dreg:$0x5];
	[sflag:s25] =	ssyncadd.s32 $0xFFFFF000  }
0x1a: {  	[tilespmem:s26], [sflag:$0x5] =	stream.linear.gather [hbm4b:s9+s4], $0x800, $0x38;
	[tilespmem:$0xB380] =	vst v63  }
0x1b: {  	_ =	swait.ge [sflag:s25], $0x800  }
0x1c: {  	[sflag:s25] =	ssyncset.done $0x0  }
0x1d: {  	s9 =	rddreg [dreg:$0x6];
	[sflag:s25] =	ssyncadd.s32 $0xFFFFF800  }
0x1e: {  	[tilespmem:s28], [sflag:$0x5] =	stream.linear.gather [hbm4b:s9+s4], $0x800, $0x38;
	[tilespmem:$0xB380] =	vst v63  }
0x1f: {  	_ =	swait.ge [sflag:s25], $0x800  }
0x20: {  	[sflag:s25] =	ssyncset.done $0x0  }
0x21: {  	s8 =	simm.s32 $0x40;
	s9 =	simm.s32 $0x0;
	[sflag:s25] =	ssyncadd.s32 $0xFFFFF800  }
.LBB2_2:
0x22: {  	p0 =	sne.s32 s8, $0x12DC0;
	[tilespmem:s9+$0x2800] =	vst v10;
	s9 =	smov.u32 s8;
	s8 =	sadd.s32 $0x40, s8  }
.Ltmp0:
0x23: {  	(pc) =	sbr.rel @p0 .LBB2_2-.Ltmp0, $2  }
0x24: {  	_ =	sdelay $0x2  }
0x25: {  	s9 =	sshra.s32 s9, $0x2  }
0x26: {  	_ =	sdelay $0x2  }
0x27: {  	[tilespmem:s9+$0x2800] =	vst v10;
	s8 =	simm.s32 $0x0  }
0x28: {  	v19 =	vld.idx.msk [tilespmem:v1+s8+$0x0], $0xffff;
	_ =	sdelay $0x4  }
0x29: {  	v19 =	vadd.s32 v6, v19;
	_ =	sdelay $0x4  }
0x2a: {  	[tilespmem:v19+s29+$0x0] =	vst.idx.msk $0xffff, v11  }
0x2b: {  	v19 =	vld.idx.msk [tilespmem:v2+s8+$0x0], $0xffff;
	_ =	sdelay $0x4  }
0x2c: {  	v19 =	vadd.s32 v12, v19;
	_ =	sdelay $0x4  }
0x2d: {  	[tilespmem:v19+s29+$0x0] =	vst.idx.msk $0xffff, v11  }
0x2e: {  	v19 =	vld.idx.msk [tilespmem:v3+s8+$0x0], $0xffff;
	_ =	sdelay $0x4  }
0x2f: {  	v19 =	vadd.s32 v13, v19;
	_ =	sdelay $0x4  }
0x30: {  	[tilespmem:v19+s29+$0x0] =	vst.idx.msk $0xffff, v11  }
0x31: {  	v19 =	vld.idx.msk [tilespmem:v4+s8+$0x0], $0xffff;
	_ =	sdelay $0x4  }
0x32: {  	v19 =	vadd.s32 v14, v19;
	_ =	sdelay $0x4  }
0x33: {  	[tilespmem:v19+s29+$0x0] =	vst.idx.msk $0xffff, v11  }
0x34: {  	v19 =	vld.idx.msk [tilespmem:v5+s8+$0x0], $0xffff;
	_ =	sdelay $0x4  }
0x35: {  	v19 =	vadd.s32 v15, v19;
	_ =	sdelay $0x4  }
0x36: {  	[tilespmem:v19+s29+$0x0] =	vst.idx.msk $0xffff, v11  }
0x37: {  	v19 =	vld.idx.msk [tilespmem:v7+s8+$0x0], $0xffff;
	_ =	sdelay $0x4  }
0x38: {  	v19 =	vadd.s32 v16, v19;
	_ =	sdelay $0x4  }
0x39: {  	[tilespmem:v19+s29+$0x0] =	vst.idx.msk $0xffff, v11  }
0x3a: {  	v19 =	vld.idx.msk [tilespmem:v8+s8+$0x0], $0xffff;
	_ =	sdelay $0x4  }
0x3b: {  	v19 =	vadd.s32 v17, v19;
	_ =	sdelay $0x4  }
0x3c: {  	[tilespmem:v19+s29+$0x0] =	vst.idx.msk $0xffff, v11  }
0x3d: {  	v19 =	vld.idx.msk [tilespmem:v9+s8+$0x0], $0xffff;
	_ =	sdelay $0x4  }
0x3e: {  	v19 =	vadd.s32 v18, v19;
	_ =	sdelay $0x1  }
0x3f: {  	v20 =	vor.u32 s8, v0;
	_ =	sdelay $0x2  }
0x40: {  	s9 =	rddreg [dreg:$0x7];
	[tilespmem:v19+s29+$0x0] =	vst.idx.msk $0xffff, v11  }
0x41: {  	[hbm4b:s9+s8] =	stream.linear.scatter [tilespmem:s29], [sflag:$0x4], $0x4B80, $0x38;
	[tilespmem:$0xB380] =	vst v63  }
0x42: {  	v19 =	vld.idx.msk [tilespmem:v20+s26+$0x0], $0xffff;
	_ =	sdelay $0x1  }
0x43: {  	v20 =	vld.idx.msk [tilespmem:v20+s28+$0x0], $0xffff;
	_ =	sdelay $0x5  }
0x44: {  	v19 =	vld.idx.msk [tilespmem:v19+s4+$0x0], $0xffff;
	_ =	sdelay $0x1  }
0x45: {  	v20 =	vld.idx.msk [tilespmem:v20+s4+$0x0], $0xffff  }
0x46: {  	s9 =	simm.s32 $0x10  }
0x47: {  	v21 =	vor.u32 s9, v0  }
0x48: {  	v19 =	vmul.u32 $0x97, v19;
	_ =	sdelay $0x1  }
0x49: {  	s8 =	simm.s32 $0x2000;
	v19 =	vadd.s32 v20, v19  }
0x4a: {  	[tilespmem:s8+$0x0] =	vst v19  }
0x4b: {  	v19 =	vld.idx.msk [tilespmem:v21+s26+$0x0], $0xffff;
	_ =	sdelay $0x1  }
0x4c: {  	v21 =	vld.idx.msk [tilespmem:v21+s28+$0x0], $0xffff;
	_ =	sdelay $0x5  }
0x4d: {  	v20 =	vld.idx.msk [tilespmem:v19+s4+$0x0], $0xffff;
	_ =	sdelay $0x1  }
0x4e: {  	v21 =	vld.idx.msk [tilespmem:v21+s4+$0x0], $0xffff  }
0x4f: {  	s9 =	simm.s32 $0x20  }
0x50: {  	v19 =	vor.u32 s9, v0;
	s9 =	simm.s32 $0x30  }
.LBB2_4:
0x51: {  	p0 =	sne.s32 s9, $0x70;
	v20 =	vmul.u32 $0x97, v20;
	_ =	sdelay $0x1  }
0x52: {  	s8 =	sadd.s32 $0x10, s8;
	v20 =	vadd.s32 v21, v20  }
0x53: {  	[tilespmem:s8+$0x0] =	vst v20  }
0x54: {  	v20 =	vld.idx.msk [tilespmem:v19+s26+$0x0], $0xffff;
	_ =	sdelay $0x1  }
0x55: {  	v19 =	vld.idx.msk [tilespmem:v19+s28+$0x0], $0xffff;
	_ =	sdelay $0x5  }
0x56: {  	v20 =	vld.idx.msk [tilespmem:v20+s4+$0x0], $0xffff  }
.Ltmp1:
0x57: {  	(pc) =	sbr.rel @p0 .LBB2_4-.Ltmp1, $2  }
0x58: {  	v21 =	vld.idx.msk [tilespmem:v19+s4+$0x0], $0xffff;
	_ =	sdelay $0x2  }
0x59: {  	v19 =	vor.u32 s9, v0;
	s9 =	sadd.s32 $0x10, s9  }
0x5a: {  	v20 =	vmul.u32 $0x97, v20;
	_ =	sdelay $0x1  }
0x5b: {  	s8 =	sadd.s32 $0x10, s8;
	v20 =	vadd.s32 v21, v20  }
0x5c: {  	[tilespmem:s8+$0x0] =	vst v20  }
0x5d: {  	v20 =	vld.idx.msk [tilespmem:v19+s26+$0x0], $0xffff;
	_ =	sdelay $0x1  }
0x5e: {  	v19 =	vld.idx.msk [tilespmem:v19+s28+$0x0], $0xffff;
	_ =	sdelay $0x5  }
0x5f: {  	v20 =	vld.idx.msk [tilespmem:v20+s4+$0x0], $0xffff;
	_ =	sdelay $0x1  }
0x60: {  	v19 =	vld.idx.msk [tilespmem:v19+s4+$0x0], $0xffff;
	_ =	sdelay $0x1  }
0x61: {  	s9 =	simm.s32 $0x80  }
0x62: {  	v21 =	vor.u32 s9, v0;
	v20 =	vmul.u32 $0x97, v20;
	_ =	sdelay $0x1  }
0x63: {  	s8 =	sadd.s32 $0x10, s8;
	v19 =	vadd.s32 v19, v20  }
0x64: {  	[tilespmem:s8+$0x0] =	vst v19;
	s8 =	simm.s32 $0x2000  }
0x65: {  	[tilespmem:s31], [sflag:$0x1] =	stream.indirect.gather [hbm4b:s3+s9], $0x40, s8, s9, $0xb8;
	[tilespmem:$0xB380] =	vst v63  }
0x66: {  	v19 =	vld.idx.msk [tilespmem:v21+s26+$0x0], $0xffff;
	_ =	sdelay $0x1  }
0x67: {  	v20 =	vld.idx.msk [tilespmem:v21+s28+$0x0], $0xffff;
	_ =	sdelay $0x5  }
0x68: {  	v19 =	vld.idx.msk [tilespmem:v19+s4+$0x0], $0xffff;
	_ =	sdelay $0x1  }
0x69: {  	v20 =	vld.idx.msk [tilespmem:v20+s4+$0x0], $0xffff  }
0x6a: {  	s9 =	simm.s32 $0x90  }
0x6b: {  	v21 =	vor.u32 s9, v0  }
0x6c: {  	v19 =	vmul.u32 $0x97, v19;
	_ =	sdelay $0x1  }
0x6d: {  	s8 =	simm.s32 $0x2080;
	v19 =	vadd.s32 v20, v19  }
0x6e: {  	[tilespmem:s8+$0x0] =	vst v19  }
0x6f: {  	v19 =	vld.idx.msk [tilespmem:v21+s26+$0x0], $0xffff;
	_ =	sdelay $0x1  }
0x70: {  	v21 =	vld.idx.msk [tilespmem:v21+s28+$0x0], $0xffff;
	_ =	sdelay $0x5  }
0x71: {  	v20 =	vld.idx.msk [tilespmem:v19+s4+$0x0], $0xffff;
	_ =	sdelay $0x1  }
0x72: {  	v21 =	vld.idx.msk [tilespmem:v21+s4+$0x0], $0xffff  }
0x73: {  	s9 =	simm.s32 $0xA0  }
0x74: {  	v19 =	vor.u32 s9, v0;
	s9 =	simm.s32 $0xB0  }
.LBB2_6:
0x75: {  	p0 =	sne.s32 s9, $0xF0;
	v20 =	vmul.u32 $0x97, v20;
	_ =	sdelay $0x1  }
0x76: {  	s8 =	sadd.s32 $0x10, s8;
	v20 =	vadd.s32 v21, v20  }
0x77: {  	[tilespmem:s8+$0x0] =	vst v20  }
0x78: {  	v20 =	vld.idx.msk [tilespmem:v19+s26+$0x0], $0xffff;
	_ =	sdelay $0x1  }
0x79: {  	v19 =	vld.idx.msk [tilespmem:v19+s28+$0x0], $0xffff;
	_ =	sdelay $0x5  }
0x7a: {  	v20 =	vld.idx.msk [tilespmem:v20+s4+$0x0], $0xffff  }
.Ltmp2:
0x7b: {  	(pc) =	sbr.rel @p0 .LBB2_6-.Ltmp2, $2  }
0x7c: {  	v21 =	vld.idx.msk [tilespmem:v19+s4+$0x0], $0xffff;
	_ =	sdelay $0x2  }
0x7d: {  	v19 =	vor.u32 s9, v0;
	s9 =	sadd.s32 $0x10, s9  }
0x7e: {  	v20 =	vmul.u32 $0x97, v20;
	_ =	sdelay $0x1  }
0x7f: {  	s8 =	sadd.s32 $0x10, s8;
	v20 =	vadd.s32 v21, v20  }
0x80: {  	[tilespmem:s8+$0x0] =	vst v20  }
0x81: {  	v20 =	vld.idx.msk [tilespmem:v19+s26+$0x0], $0xffff;
	_ =	sdelay $0x1  }
0x82: {  	v19 =	vld.idx.msk [tilespmem:v19+s28+$0x0], $0xffff;
	_ =	sdelay $0x5  }
0x83: {  	v20 =	vld.idx.msk [tilespmem:v20+s4+$0x0], $0xffff;
	_ =	sdelay $0x1  }
0x84: {  	v19 =	vld.idx.msk [tilespmem:v19+s4+$0x0], $0xffff;
	_ =	sdelay $0x2  }
0x85: {  	v20 =	vmul.u32 $0x97, v20;
	_ =	sdelay $0x1  }
0x86: {  	s8 =	sadd.s32 $0x10, s8;
	v19 =	vadd.s32 v19, v20  }
0x87: {  	[tilespmem:s8+$0x0] =	vst v19  }
0x88: {  	s9 =	simm.s32 $0x100;
	_ =	swait.ge [sflag:s2], $0x2000  }
0x89: {  	v19 =	vor.u32 s9, v0;
	[sflag:s2] =	ssyncset.done $0x0  }
0x8a: {  	s9 =	rddreg [dreg:$0x8];
	[sflag:s2] =	ssyncadd.s32 $0xFFFFE000  }
0x8b: {  	[hbm4b:s9+s4] =	stream.linear.scatter [tilespmem:s31], [sflag:$0x2], $0x2000, $0x38;
	[tilespmem:$0xB380] =	vst v63  }
0x8c: {  	s9 =	simm.s32 $0x2080  }
0x8d: {  	[tilespmem:s30], [sflag:$0x1] =	stream.indirect.gather [hbm4b:s3+s0], $0x40, s9, s0, $0xb8;
	[tilespmem:$0xB380] =	vst v63  }
0x8e: {  	v20 =	vld.idx.msk [tilespmem:v19+s26+$0x0], $0xffff;
	_ =	sdelay $0x1  }
0x8f: {  	v19 =	vld.idx.msk [tilespmem:v19+s28+$0x0], $0xffff;
	_ =	sdelay $0x5  }
0x90: {  	v20 =	vld.idx.msk [tilespmem:v20+s4+$0x0], $0xffff;
	_ =	sdelay $0x1  }
0x91: {  	v19 =	vld.idx.msk [tilespmem:v19+s4+$0x0], $0xffff  }
0x92: {  	s9 =	simm.s32 $0x110  }
0x93: {  	v21 =	vor.u32 s9, v0  }
0x94: {  	v20 =	vmul.u32 $0x97, v20;
	_ =	sdelay $0x1  }
0x95: {  	s8 =	simm.s32 $0x2100;
	v19 =	vadd.s32 v19, v20  }
0x96: {  	[tilespmem:s8+$0x0] =	vst v19  }
0x97: {  	v19 =	vld.idx.msk [tilespmem:v21+s26+$0x0], $0xffff;
	_ =	sdelay $0x1  }
0x98: {  	v21 =	vld.idx.msk [tilespmem:v21+s28+$0x0], $0xffff;
	_ =	sdelay $0x5  }
0x99: {  	v20 =	vld.idx.msk [tilespmem:v19+s4+$0x0], $0xffff;
	_ =	sdelay $0x1  }
0x9a: {  	v21 =	vld.idx.msk [tilespmem:v21+s4+$0x0], $0xffff  }
0x9b: {  	s9 =	simm.s32 $0x120  }
0x9c: {  	v19 =	vor.u32 s9, v0;
	s9 =	simm.s32 $0x130  }
.LBB2_8:
0x9d: {  	p0 =	sne.s32 s9, $0x170;
	v20 =	vmul.u32 $0x97, v20;
	_ =	sdelay $0x1  }
0x9e: {  	s8 =	sadd.s32 $0x10, s8;
	v20 =	vadd.s32 v21, v20  }
0x9f: {  	[tilespmem:s8+$0x0] =	vst v20  }
0xa0: {  	v20 =	vld.idx.msk [tilespmem:v19+s26+$0x0], $0xffff;
	_ =	sdelay $0x1  }
0xa1: {  	v19 =	vld.idx.msk [tilespmem:v19+s28+$0x0], $0xffff;
	_ =	sdelay $0x5  }
0xa2: {  	v20 =	vld.idx.msk [tilespmem:v20+s4+$0x0], $0xffff  }
.Ltmp3:
0xa3: {  	(pc) =	sbr.rel @p0 .LBB2_8-.Ltmp3, $2  }
0xa4: {  	v21 =	vld.idx.msk [tilespmem:v19+s4+$0x0], $0xffff;
	_ =	sdelay $0x2  }
0xa5: {  	v19 =	vor.u32 s9, v0;
	s9 =	sadd.s32 $0x10, s9  }
0xa6: {  	v20 =	vmul.u32 $0x97, v20;
	_ =	sdelay $0x1  }
0xa7: {  	s8 =	sadd.s32 $0x10, s8;
	v20 =	vadd.s32 v21, v20  }
0xa8: {  	[tilespmem:s8+$0x0] =	vst v20  }
0xa9: {  	v20 =	vld.idx.msk [tilespmem:v19+s26+$0x0], $0xffff;
	_ =	sdelay $0x1  }
0xaa: {  	v19 =	vld.idx.msk [tilespmem:v19+s28+$0x0], $0xffff;
	_ =	sdelay $0x5  }
0xab: {  	v20 =	vld.idx.msk [tilespmem:v20+s4+$0x0], $0xffff;
	_ =	sdelay $0x1  }
0xac: {  	v19 =	vld.idx.msk [tilespmem:v19+s4+$0x0], $0xffff;
	_ =	sdelay $0x2  }
0xad: {  	v20 =	vmul.u32 $0x97, v20;
	_ =	sdelay $0x1  }
0xae: {  	s8 =	sadd.s32 $0x10, s8;
	v19 =	vadd.s32 v19, v20  }
0xaf: {  	[tilespmem:s8+$0x0] =	vst v19  }
0xb0: {  	_ =	swait.ge [sflag:s2], $0x2000  }
0xb1: {  	[sflag:s2] =	ssyncset.done $0x0  }
0xb2: {  	s8 =	simm.s32 $0x180;
	s9 =	rddreg [dreg:$0x9];
	[sflag:s2] =	ssyncadd.s32 $0xFFFFE000  }
0xb3: {  	v19 =	vor.u32 s8, v0;
	[hbm4b:s9+s4] =	stream.linear.scatter [tilespmem:s30], [sflag:$0x3], $0x2000, $0x38;
	[tilespmem:$0xB380] =	vst v63  }
0xb4: {  	_ =	swait.ge [sflag:s1], $0x2000  }
0xb5: {  	[sflag:s1] =	ssyncset.done $0x0  }
0xb6: {  	s9 =	simm.s32 $0x2100;
	[sflag:s1] =	ssyncadd.s32 $0xFFFFE000  }
0xb7: {  	[tilespmem:s31], [sflag:$0x1] =	stream.indirect.gather [hbm4b:s3+s0], $0x40, s9, s0, $0xb8;
	[tilespmem:$0xB380] =	vst v63  }
0xb8: {  	v20 =	vld.idx.msk [tilespmem:v19+s26+$0x0], $0xffff;
	_ =	sdelay $0x1  }
0xb9: {  	v19 =	vld.idx.msk [tilespmem:v19+s28+$0x0], $0xffff;
	_ =	sdelay $0x5  }
0xba: {  	v20 =	vld.idx.msk [tilespmem:v20+s4+$0x0], $0xffff;
	_ =	sdelay $0x1  }
0xbb: {  	v19 =	vld.idx.msk [tilespmem:v19+s4+$0x0], $0xffff  }
0xbc: {  	s9 =	simm.s32 $0x190  }
0xbd: {  	v21 =	vor.u32 s9, v0  }
0xbe: {  	v20 =	vmul.u32 $0x97, v20;
	_ =	sdelay $0x1  }
0xbf: {  	s8 =	simm.s32 $0x2180;
	v19 =	vadd.s32 v19, v20  }
0xc0: {  	[tilespmem:s8+$0x0] =	vst v19  }
0xc1: {  	v19 =	vld.idx.msk [tilespmem:v21+s26+$0x0], $0xffff;
	_ =	sdelay $0x1  }
0xc2: {  	v21 =	vld.idx.msk [tilespmem:v21+s28+$0x0], $0xffff;
	_ =	sdelay $0x5  }
0xc3: {  	v20 =	vld.idx.msk [tilespmem:v19+s4+$0x0], $0xffff;
	_ =	sdelay $0x1  }
0xc4: {  	v21 =	vld.idx.msk [tilespmem:v21+s4+$0x0], $0xffff  }
0xc5: {  	s9 =	simm.s32 $0x1A0  }
0xc6: {  	v19 =	vor.u32 s9, v0;
	s9 =	simm.s32 $0x1B0  }
.LBB2_10:
0xc7: {  	p0 =	sne.s32 s9, $0x1F0;
	v20 =	vmul.u32 $0x97, v20;
	_ =	sdelay $0x1  }
0xc8: {  	s8 =	sadd.s32 $0x10, s8;
	v20 =	vadd.s32 v21, v20  }
0xc9: {  	[tilespmem:s8+$0x0] =	vst v20  }
0xca: {  	v20 =	vld.idx.msk [tilespmem:v19+s26+$0x0], $0xffff;
	_ =	sdelay $0x1  }
0xcb: {  	v19 =	vld.idx.msk [tilespmem:v19+s28+$0x0], $0xffff;
	_ =	sdelay $0x5  }
0xcc: {  	v20 =	vld.idx.msk [tilespmem:v20+s4+$0x0], $0xffff  }
.Ltmp4:
0xcd: {  	(pc) =	sbr.rel @p0 .LBB2_10-.Ltmp4, $2  }
0xce: {  	v21 =	vld.idx.msk [tilespmem:v19+s4+$0x0], $0xffff;
	_ =	sdelay $0x2  }
0xcf: {  	v19 =	vor.u32 s9, v0;
	s9 =	sadd.s32 $0x10, s9  }
0xd0: {  	v20 =	vmul.u32 $0x97, v20;
	_ =	sdelay $0x1  }
0xd1: {  	s8 =	sadd.s32 $0x10, s8;
	v20 =	vadd.s32 v21, v20  }
0xd2: {  	[tilespmem:s8+$0x0] =	vst v20  }
0xd3: {  	v20 =	vld.idx.msk [tilespmem:v19+s26+$0x0], $0xffff;
	_ =	sdelay $0x1  }
0xd4: {  	v19 =	vld.idx.msk [tilespmem:v19+s28+$0x0], $0xffff;
	_ =	sdelay $0x5  }
0xd5: {  	v20 =	vld.idx.msk [tilespmem:v20+s4+$0x0], $0xffff;
	_ =	sdelay $0x1  }
0xd6: {  	v19 =	vld.idx.msk [tilespmem:v19+s4+$0x0], $0xffff;
	_ =	sdelay $0x2  }
0xd7: {  	v20 =	vmul.u32 $0x97, v20;
	_ =	sdelay $0x1  }
0xd8: {  	s8 =	sadd.s32 $0x10, s8;
	v19 =	vadd.s32 v19, v20  }
0xd9: {  	[tilespmem:s8+$0x0] =	vst v19  }
0xda: {  	_ =	swait.ge [sflag:s2], $0x2000  }
0xdb: {  	[sflag:s2] =	ssyncset.done $0x0  }
0xdc: {  	s9 =	simm.s32 $0x200;
	[sflag:s2] =	ssyncadd.s32 $0xFFFFE000  }
0xdd: {  	v19 =	vor.u32 s9, v0;
	[hbm4b:s10+s4] =	stream.linear.scatter [tilespmem:s31], [sflag:$0x2], $0x2000, $0x38;
	[tilespmem:$0xB380] =	vst v63  }
0xde: {  	_ =	swait.ge [sflag:s5], $0x2000  }
0xdf: {  	[sflag:s5] =	ssyncset.done $0x0  }
0xe0: {  	s9 =	simm.s32 $0x2180;
	[sflag:s5] =	ssyncadd.s32 $0xFFFFE000  }
0xe1: {  	[tilespmem:s30], [sflag:$0x1] =	stream.indirect.gather [hbm4b:s3+s0], $0x40, s9, s0, $0xb8;
	[tilespmem:$0xB380] =	vst v63  }
0xe2: {  	v20 =	vld.idx.msk [tilespmem:v19+s26+$0x0], $0xffff;
	_ =	sdelay $0x1  }
0xe3: {  	v19 =	vld.idx.msk [tilespmem:v19+s28+$0x0], $0xffff;
	_ =	sdelay $0x5  }
0xe4: {  	v20 =	vld.idx.msk [tilespmem:v20+s4+$0x0], $0xffff;
	_ =	sdelay $0x1  }
0xe5: {  	v19 =	vld.idx.msk [tilespmem:v19+s4+$0x0], $0xffff  }
0xe6: {  	s9 =	simm.s32 $0x210  }
0xe7: {  	v21 =	vor.u32 s9, v0  }
0xe8: {  	v20 =	vmul.u32 $0x97, v20;
	_ =	sdelay $0x1  }
0xe9: {  	s8 =	simm.s32 $0x2200;
	v19 =	vadd.s32 v19, v20  }
0xea: {  	[tilespmem:s8+$0x0] =	vst v19  }
0xeb: {  	v19 =	vld.idx.msk [tilespmem:v21+s26+$0x0], $0xffff;
	_ =	sdelay $0x1  }
0xec: {  	v21 =	vld.idx.msk [tilespmem:v21+s28+$0x0], $0xffff;
	_ =	sdelay $0x5  }
0xed: {  	v20 =	vld.idx.msk [tilespmem:v19+s4+$0x0], $0xffff;
	_ =	sdelay $0x1  }
0xee: {  	v21 =	vld.idx.msk [tilespmem:v21+s4+$0x0], $0xffff  }
0xef: {  	s9 =	simm.s32 $0x220  }
0xf0: {  	v19 =	vor.u32 s9, v0;
	s9 =	simm.s32 $0x230  }
.LBB2_12:
0xf1: {  	p0 =	sne.s32 s9, $0x270;
	v20 =	vmul.u32 $0x97, v20;
	_ =	sdelay $0x1  }
0xf2: {  	s8 =	sadd.s32 $0x10, s8;
	v20 =	vadd.s32 v21, v20  }
0xf3: {  	[tilespmem:s8+$0x0] =	vst v20  }
0xf4: {  	v20 =	vld.idx.msk [tilespmem:v19+s26+$0x0], $0xffff;
	_ =	sdelay $0x1  }
0xf5: {  	v19 =	vld.idx.msk [tilespmem:v19+s28+$0x0], $0xffff;
	_ =	sdelay $0x5  }
0xf6: {  	v20 =	vld.idx.msk [tilespmem:v20+s4+$0x0], $0xffff  }
.Ltmp5:
0xf7: {  	(pc) =	sbr.rel @p0 .LBB2_12-.Ltmp5, $2  }
0xf8: {  	v21 =	vld.idx.msk [tilespmem:v19+s4+$0x0], $0xffff;
	_ =	sdelay $0x2  }
0xf9: {  	v19 =	vor.u32 s9, v0;
	s9 =	sadd.s32 $0x10, s9  }
0xfa: {  	v20 =	vmul.u32 $0x97, v20;
	_ =	sdelay $0x1  }
0xfb: {  	s8 =	sadd.s32 $0x10, s8;
	v20 =	vadd.s32 v21, v20  }
0xfc: {  	[tilespmem:s8+$0x0] =	vst v20  }
0xfd: {  	v20 =	vld.idx.msk [tilespmem:v19+s26+$0x0], $0xffff;
	_ =	sdelay $0x1  }
0xfe: {  	v19 =	vld.idx.msk [tilespmem:v19+s28+$0x0], $0xffff;
	_ =	sdelay $0x5  }
0xff: {  	v20 =	vld.idx.msk [tilespmem:v20+s4+$0x0], $0xffff;
	_ =	sdelay $0x1  }
0x100: {  	v19 =	vld.idx.msk [tilespmem:v19+s4+$0x0], $0xffff;
	_ =	sdelay $0x2  }
0x101: {  	v20 =	vmul.u32 $0x97, v20;
	_ =	sdelay $0x1  }
0x102: {  	s8 =	sadd.s32 $0x10, s8;
	v19 =	vadd.s32 v19, v20  }
0x103: {  	[tilespmem:s8+$0x0] =	vst v19  }
0x104: {  	_ =	swait.ge [sflag:s2], $0x2000  }
0x105: {  	[sflag:s2] =	ssyncset.done $0x0  }
0x106: {  	s9 =	simm.s32 $0x280;
	[sflag:s2] =	ssyncadd.s32 $0xFFFFE000  }
0x107: {  	v19 =	vor.u32 s9, v0;
	[hbm4b:s11+s4] =	stream.linear.scatter [tilespmem:s30], [sflag:$0x3], $0x2000, $0x38;
	[tilespmem:$0xB380] =	vst v63  }
0x108: {  	_ =	swait.ge [sflag:s1], $0x2000  }
0x109: {  	[sflag:s1] =	ssyncset.done $0x0  }
0x10a: {  	s9 =	simm.s32 $0x2200;
	[sflag:s1] =	ssyncadd.s32 $0xFFFFE000  }
0x10b: {  	[tilespmem:s31], [sflag:$0x1] =	stream.indirect.gather [hbm4b:s3+s0], $0x40, s9, s0, $0xb8;
	[tilespmem:$0xB380] =	vst v63  }
0x10c: {  	v20 =	vld.idx.msk [tilespmem:v19+s26+$0x0], $0xffff;
	_ =	sdelay $0x1  }
0x10d: {  	v19 =	vld.idx.msk [tilespmem:v19+s28+$0x0], $0xffff;
	_ =	sdelay $0x5  }
0x10e: {  	v20 =	vld.idx.msk [tilespmem:v20+s4+$0x0], $0xffff;
	_ =	sdelay $0x1  }
0x10f: {  	v19 =	vld.idx.msk [tilespmem:v19+s4+$0x0], $0xffff  }
0x110: {  	s9 =	simm.s32 $0x290  }
0x111: {  	v21 =	vor.u32 s9, v0  }
0x112: {  	v20 =	vmul.u32 $0x97, v20;
	_ =	sdelay $0x1  }
0x113: {  	s8 =	simm.s32 $0x2280;
	v19 =	vadd.s32 v19, v20  }
0x114: {  	[tilespmem:s8+$0x0] =	vst v19  }
0x115: {  	v19 =	vld.idx.msk [tilespmem:v21+s26+$0x0], $0xffff;
	_ =	sdelay $0x1  }
0x116: {  	v21 =	vld.idx.msk [tilespmem:v21+s28+$0x0], $0xffff;
	_ =	sdelay $0x5  }
0x117: {  	v20 =	vld.idx.msk [tilespmem:v19+s4+$0x0], $0xffff;
	_ =	sdelay $0x1  }
0x118: {  	v21 =	vld.idx.msk [tilespmem:v21+s4+$0x0], $0xffff  }
0x119: {  	s9 =	simm.s32 $0x2A0  }
0x11a: {  	v19 =	vor.u32 s9, v0;
	s9 =	simm.s32 $0x2B0  }
.LBB2_14:
0x11b: {  	p0 =	sne.s32 s9, $0x2F0;
	v20 =	vmul.u32 $0x97, v20;
	_ =	sdelay $0x1  }
0x11c: {  	s8 =	sadd.s32 $0x10, s8;
	v20 =	vadd.s32 v21, v20  }
0x11d: {  	[tilespmem:s8+$0x0] =	vst v20  }
0x11e: {  	v20 =	vld.idx.msk [tilespmem:v19+s26+$0x0], $0xffff;
	_ =	sdelay $0x1  }
0x11f: {  	v19 =	vld.idx.msk [tilespmem:v19+s28+$0x0], $0xffff;
	_ =	sdelay $0x5  }
0x120: {  	v20 =	vld.idx.msk [tilespmem:v20+s4+$0x0], $0xffff  }
.Ltmp6:
0x121: {  	(pc) =	sbr.rel @p0 .LBB2_14-.Ltmp6, $2  }
0x122: {  	v21 =	vld.idx.msk [tilespmem:v19+s4+$0x0], $0xffff;
	_ =	sdelay $0x2  }
0x123: {  	v19 =	vor.u32 s9, v0;
	s9 =	sadd.s32 $0x10, s9  }
0x124: {  	v20 =	vmul.u32 $0x97, v20;
	_ =	sdelay $0x1  }
0x125: {  	s8 =	sadd.s32 $0x10, s8;
	v20 =	vadd.s32 v21, v20  }
0x126: {  	[tilespmem:s8+$0x0] =	vst v20  }
0x127: {  	v20 =	vld.idx.msk [tilespmem:v19+s26+$0x0], $0xffff;
	_ =	sdelay $0x1  }
0x128: {  	v19 =	vld.idx.msk [tilespmem:v19+s28+$0x0], $0xffff;
	_ =	sdelay $0x5  }
0x129: {  	v20 =	vld.idx.msk [tilespmem:v20+s4+$0x0], $0xffff;
	_ =	sdelay $0x1  }
0x12a: {  	v19 =	vld.idx.msk [tilespmem:v19+s4+$0x0], $0xffff;
	_ =	sdelay $0x2  }
0x12b: {  	v20 =	vmul.u32 $0x97, v20;
	_ =	sdelay $0x1  }
0x12c: {  	s8 =	sadd.s32 $0x10, s8;
	v19 =	vadd.s32 v19, v20  }
0x12d: {  	[tilespmem:s8+$0x0] =	vst v19  }
0x12e: {  	_ =	swait.ge [sflag:s2], $0x2000  }
0x12f: {  	[sflag:s2] =	ssyncset.done $0x0  }
0x130: {  	s9 =	simm.s32 $0x300;
	[sflag:s2] =	ssyncadd.s32 $0xFFFFE000  }
0x131: {  	v19 =	vor.u32 s9, v0;
	[hbm4b:s12+s4] =	stream.linear.scatter [tilespmem:s31], [sflag:$0x2], $0x2000, $0x38;
	[tilespmem:$0xB380] =	vst v63  }
0x132: {  	_ =	swait.ge [sflag:s5], $0x2000  }
0x133: {  	[sflag:s5] =	ssyncset.done $0x0  }
0x134: {  	s9 =	simm.s32 $0x2280;
	[sflag:s5] =	ssyncadd.s32 $0xFFFFE000  }
0x135: {  	[tilespmem:s30], [sflag:$0x1] =	stream.indirect.gather [hbm4b:s3+s0], $0x40, s9, s0, $0xb8;
	[tilespmem:$0xB380] =	vst v63  }
0x136: {  	v20 =	vld.idx.msk [tilespmem:v19+s26+$0x0], $0xffff;
	_ =	sdelay $0x1  }
0x137: {  	v19 =	vld.idx.msk [tilespmem:v19+s28+$0x0], $0xffff;
	_ =	sdelay $0x5  }
0x138: {  	v20 =	vld.idx.msk [tilespmem:v20+s4+$0x0], $0xffff;
	_ =	sdelay $0x1  }
0x139: {  	v19 =	vld.idx.msk [tilespmem:v19+s4+$0x0], $0xffff  }
0x13a: {  	s9 =	simm.s32 $0x310  }
0x13b: {  	v21 =	vor.u32 s9, v0  }
0x13c: {  	v20 =	vmul.u32 $0x97, v20;
	_ =	sdelay $0x1  }
0x13d: {  	s8 =	simm.s32 $0x2300;
	v19 =	vadd.s32 v19, v20  }
0x13e: {  	[tilespmem:s8+$0x0] =	vst v19  }
0x13f: {  	v19 =	vld.idx.msk [tilespmem:v21+s26+$0x0], $0xffff;
	_ =	sdelay $0x1  }
0x140: {  	v21 =	vld.idx.msk [tilespmem:v21+s28+$0x0], $0xffff;
	_ =	sdelay $0x5  }
0x141: {  	v20 =	vld.idx.msk [tilespmem:v19+s4+$0x0], $0xffff;
	_ =	sdelay $0x1  }
0x142: {  	v21 =	vld.idx.msk [tilespmem:v21+s4+$0x0], $0xffff  }
0x143: {  	s9 =	simm.s32 $0x320  }
0x144: {  	v19 =	vor.u32 s9, v0;
	s9 =	simm.s32 $0x330  }
.LBB2_16:
0x145: {  	p0 =	sne.s32 s9, $0x370;
	v20 =	vmul.u32 $0x97, v20;
	_ =	sdelay $0x1  }
0x146: {  	s8 =	sadd.s32 $0x10, s8;
	v20 =	vadd.s32 v21, v20  }
0x147: {  	[tilespmem:s8+$0x0] =	vst v20  }
0x148: {  	v20 =	vld.idx.msk [tilespmem:v19+s26+$0x0], $0xffff;
	_ =	sdelay $0x1  }
0x149: {  	v19 =	vld.idx.msk [tilespmem:v19+s28+$0x0], $0xffff;
	_ =	sdelay $0x5  }
0x14a: {  	v20 =	vld.idx.msk [tilespmem:v20+s4+$0x0], $0xffff  }
.Ltmp7:
0x14b: {  	(pc) =	sbr.rel @p0 .LBB2_16-.Ltmp7, $2  }
0x14c: {  	v21 =	vld.idx.msk [tilespmem:v19+s4+$0x0], $0xffff;
	_ =	sdelay $0x2  }
0x14d: {  	v19 =	vor.u32 s9, v0;
	s9 =	sadd.s32 $0x10, s9  }
0x14e: {  	v20 =	vmul.u32 $0x97, v20;
	_ =	sdelay $0x1  }
0x14f: {  	s8 =	sadd.s32 $0x10, s8;
	v20 =	vadd.s32 v21, v20  }
0x150: {  	[tilespmem:s8+$0x0] =	vst v20  }
0x151: {  	v20 =	vld.idx.msk [tilespmem:v19+s26+$0x0], $0xffff;
	_ =	sdelay $0x1  }
0x152: {  	v19 =	vld.idx.msk [tilespmem:v19+s28+$0x0], $0xffff;
	_ =	sdelay $0x5  }
0x153: {  	v20 =	vld.idx.msk [tilespmem:v20+s4+$0x0], $0xffff;
	_ =	sdelay $0x1  }
0x154: {  	v19 =	vld.idx.msk [tilespmem:v19+s4+$0x0], $0xffff;
	_ =	sdelay $0x2  }
0x155: {  	v20 =	vmul.u32 $0x97, v20;
	_ =	sdelay $0x1  }
0x156: {  	s8 =	sadd.s32 $0x10, s8;
	v19 =	vadd.s32 v19, v20  }
0x157: {  	[tilespmem:s8+$0x0] =	vst v19  }
0x158: {  	_ =	swait.ge [sflag:s2], $0x2000  }
0x159: {  	[sflag:s2] =	ssyncset.done $0x0  }
0x15a: {  	s9 =	simm.s32 $0x380;
	[sflag:s2] =	ssyncadd.s32 $0xFFFFE000  }
0x15b: {  	v19 =	vor.u32 s9, v0;
	[hbm4b:s13+s4] =	stream.linear.scatter [tilespmem:s30], [sflag:$0x3], $0x2000, $0x38;
	[tilespmem:$0xB380] =	vst v63  }
0x15c: {  	_ =	swait.ge [sflag:s1], $0x2000  }
0x15d: {  	[sflag:s1] =	ssyncset.done $0x0  }
0x15e: {  	s9 =	simm.s32 $0x2300;
	[sflag:s1] =	ssyncadd.s32 $0xFFFFE000  }
0x15f: {  	[tilespmem:s31], [sflag:$0x1] =	stream.indirect.gather [hbm4b:s3+s0], $0x40, s9, s0, $0xb8;
	[tilespmem:$0xB380] =	vst v63  }
0x160: {  	v20 =	vld.idx.msk [tilespmem:v19+s26+$0x0], $0xffff;
	_ =	sdelay $0x1  }
0x161: {  	v19 =	vld.idx.msk [tilespmem:v19+s28+$0x0], $0xffff;
	_ =	sdelay $0x5  }
0x162: {  	v20 =	vld.idx.msk [tilespmem:v20+s4+$0x0], $0xffff;
	_ =	sdelay $0x1  }
0x163: {  	v19 =	vld.idx.msk [tilespmem:v19+s4+$0x0], $0xffff  }
0x164: {  	s9 =	simm.s32 $0x390  }
0x165: {  	v21 =	vor.u32 s9, v0  }
0x166: {  	v20 =	vmul.u32 $0x97, v20;
	_ =	sdelay $0x1  }
0x167: {  	s8 =	simm.s32 $0x2380;
	v19 =	vadd.s32 v19, v20  }
0x168: {  	[tilespmem:s8+$0x0] =	vst v19  }
0x169: {  	v19 =	vld.idx.msk [tilespmem:v21+s26+$0x0], $0xffff;
	_ =	sdelay $0x1  }
0x16a: {  	v21 =	vld.idx.msk [tilespmem:v21+s28+$0x0], $0xffff;
	_ =	sdelay $0x5  }
0x16b: {  	v20 =	vld.idx.msk [tilespmem:v19+s4+$0x0], $0xffff;
	_ =	sdelay $0x1  }
0x16c: {  	v21 =	vld.idx.msk [tilespmem:v21+s4+$0x0], $0xffff  }
0x16d: {  	s9 =	simm.s32 $0x3A0  }
0x16e: {  	v19 =	vor.u32 s9, v0;
	s9 =	simm.s32 $0x3B0  }
.LBB2_18:
0x16f: {  	p0 =	sne.s32 s9, $0x3F0;
	v20 =	vmul.u32 $0x97, v20;
	_ =	sdelay $0x1  }
0x170: {  	s8 =	sadd.s32 $0x10, s8;
	v20 =	vadd.s32 v21, v20  }
0x171: {  	[tilespmem:s8+$0x0] =	vst v20  }
0x172: {  	v20 =	vld.idx.msk [tilespmem:v19+s26+$0x0], $0xffff;
	_ =	sdelay $0x1  }
0x173: {  	v19 =	vld.idx.msk [tilespmem:v19+s28+$0x0], $0xffff;
	_ =	sdelay $0x5  }
0x174: {  	v20 =	vld.idx.msk [tilespmem:v20+s4+$0x0], $0xffff  }
.Ltmp8:
0x175: {  	(pc) =	sbr.rel @p0 .LBB2_18-.Ltmp8, $2  }
0x176: {  	v21 =	vld.idx.msk [tilespmem:v19+s4+$0x0], $0xffff;
	_ =	sdelay $0x2  }
0x177: {  	v19 =	vor.u32 s9, v0;
	s9 =	sadd.s32 $0x10, s9  }
0x178: {  	v20 =	vmul.u32 $0x97, v20;
	_ =	sdelay $0x1  }
0x179: {  	s8 =	sadd.s32 $0x10, s8;
	v20 =	vadd.s32 v21, v20  }
0x17a: {  	[tilespmem:s8+$0x0] =	vst v20  }
0x17b: {  	v20 =	vld.idx.msk [tilespmem:v19+s26+$0x0], $0xffff;
	_ =	sdelay $0x1  }
0x17c: {  	v19 =	vld.idx.msk [tilespmem:v19+s28+$0x0], $0xffff;
	_ =	sdelay $0x5  }
0x17d: {  	v20 =	vld.idx.msk [tilespmem:v20+s4+$0x0], $0xffff;
	_ =	sdelay $0x1  }
0x17e: {  	v19 =	vld.idx.msk [tilespmem:v19+s4+$0x0], $0xffff;
	_ =	sdelay $0x2  }
0x17f: {  	v20 =	vmul.u32 $0x97, v20;
	_ =	sdelay $0x1  }
0x180: {  	s8 =	sadd.s32 $0x10, s8;
	v19 =	vadd.s32 v19, v20  }
0x181: {  	[tilespmem:s8+$0x0] =	vst v19  }
0x182: {  	_ =	swait.ge [sflag:s2], $0x2000  }
0x183: {  	[sflag:s2] =	ssyncset.done $0x0  }
0x184: {  	s9 =	simm.s32 $0x400;
	[sflag:s2] =	ssyncadd.s32 $0xFFFFE000  }
0x185: {  	v19 =	vor.u32 s9, v0;
	[hbm4b:s14+s4] =	stream.linear.scatter [tilespmem:s31], [sflag:$0x2], $0x2000, $0x38;
	[tilespmem:$0xB380] =	vst v63  }
0x186: {  	_ =	swait.ge [sflag:s5], $0x2000  }
0x187: {  	[sflag:s5] =	ssyncset.done $0x0  }
0x188: {  	s9 =	simm.s32 $0x2380;
	[sflag:s5] =	ssyncadd.s32 $0xFFFFE000  }
0x189: {  	[tilespmem:s30], [sflag:$0x1] =	stream.indirect.gather [hbm4b:s3+s0], $0x40, s9, s0, $0xb8;
	[tilespmem:$0xB380] =	vst v63  }
0x18a: {  	v20 =	vld.idx.msk [tilespmem:v19+s26+$0x0], $0xffff;
	_ =	sdelay $0x1  }
0x18b: {  	v19 =	vld.idx.msk [tilespmem:v19+s28+$0x0], $0xffff;
	_ =	sdelay $0x5  }
0x18c: {  	v20 =	vld.idx.msk [tilespmem:v20+s4+$0x0], $0xffff;
	_ =	sdelay $0x1  }
0x18d: {  	v19 =	vld.idx.msk [tilespmem:v19+s4+$0x0], $0xffff  }
0x18e: {  	s9 =	simm.s32 $0x410  }
0x18f: {  	v21 =	vor.u32 s9, v0  }
0x190: {  	v20 =	vmul.u32 $0x97, v20;
	_ =	sdelay $0x1  }
0x191: {  	s8 =	simm.s32 $0x2400;
	v19 =	vadd.s32 v19, v20  }
0x192: {  	[tilespmem:s8+$0x0] =	vst v19  }
0x193: {  	v19 =	vld.idx.msk [tilespmem:v21+s26+$0x0], $0xffff;
	_ =	sdelay $0x1  }
0x194: {  	v21 =	vld.idx.msk [tilespmem:v21+s28+$0x0], $0xffff;
	_ =	sdelay $0x5  }
0x195: {  	v20 =	vld.idx.msk [tilespmem:v19+s4+$0x0], $0xffff;
	_ =	sdelay $0x1  }
0x196: {  	v21 =	vld.idx.msk [tilespmem:v21+s4+$0x0], $0xffff  }
0x197: {  	s9 =	simm.s32 $0x420  }
0x198: {  	v19 =	vor.u32 s9, v0;
	s9 =	simm.s32 $0x430  }
.LBB2_20:
0x199: {  	p0 =	sne.s32 s9, $0x470;
	v20 =	vmul.u32 $0x97, v20;
	_ =	sdelay $0x1  }
0x19a: {  	s8 =	sadd.s32 $0x10, s8;
	v20 =	vadd.s32 v21, v20  }
0x19b: {  	[tilespmem:s8+$0x0] =	vst v20  }
0x19c: {  	v20 =	vld.idx.msk [tilespmem:v19+s26+$0x0], $0xffff;
	_ =	sdelay $0x1  }
0x19d: {  	v19 =	vld.idx.msk [tilespmem:v19+s28+$0x0], $0xffff;
	_ =	sdelay $0x5  }
0x19e: {  	v20 =	vld.idx.msk [tilespmem:v20+s4+$0x0], $0xffff  }
.Ltmp9:
0x19f: {  	(pc) =	sbr.rel @p0 .LBB2_20-.Ltmp9, $2  }
0x1a0: {  	v21 =	vld.idx.msk [tilespmem:v19+s4+$0x0], $0xffff;
	_ =	sdelay $0x2  }
0x1a1: {  	v19 =	vor.u32 s9, v0;
	s9 =	sadd.s32 $0x10, s9  }
0x1a2: {  	v20 =	vmul.u32 $0x97, v20;
	_ =	sdelay $0x1  }
0x1a3: {  	s8 =	sadd.s32 $0x10, s8;
	v20 =	vadd.s32 v21, v20  }
0x1a4: {  	[tilespmem:s8+$0x0] =	vst v20  }
0x1a5: {  	v20 =	vld.idx.msk [tilespmem:v19+s26+$0x0], $0xffff;
	_ =	sdelay $0x1  }
0x1a6: {  	v19 =	vld.idx.msk [tilespmem:v19+s28+$0x0], $0xffff;
	_ =	sdelay $0x5  }
0x1a7: {  	v20 =	vld.idx.msk [tilespmem:v20+s4+$0x0], $0xffff;
	_ =	sdelay $0x1  }
0x1a8: {  	v19 =	vld.idx.msk [tilespmem:v19+s4+$0x0], $0xffff;
	_ =	sdelay $0x2  }
0x1a9: {  	v20 =	vmul.u32 $0x97, v20;
	_ =	sdelay $0x1  }
0x1aa: {  	s8 =	sadd.s32 $0x10, s8;
	v19 =	vadd.s32 v19, v20  }
0x1ab: {  	[tilespmem:s8+$0x0] =	vst v19  }
0x1ac: {  	_ =	swait.ge [sflag:s2], $0x2000  }
0x1ad: {  	[sflag:s2] =	ssyncset.done $0x0  }
0x1ae: {  	s9 =	simm.s32 $0x480;
	[sflag:s2] =	ssyncadd.s32 $0xFFFFE000  }
0x1af: {  	v19 =	vor.u32 s9, v0;
	[hbm4b:s15+s4] =	stream.linear.scatter [tilespmem:s30], [sflag:$0x3], $0x2000, $0x38;
	[tilespmem:$0xB380] =	vst v63  }
0x1b0: {  	_ =	swait.ge [sflag:s1], $0x2000  }
0x1b1: {  	[sflag:s1] =	ssyncset.done $0x0  }
0x1b2: {  	s9 =	simm.s32 $0x2400;
	[sflag:s1] =	ssyncadd.s32 $0xFFFFE000  }
0x1b3: {  	[tilespmem:s31], [sflag:$0x1] =	stream.indirect.gather [hbm4b:s3+s0], $0x40, s9, s0, $0xb8;
	[tilespmem:$0xB380] =	vst v63  }
0x1b4: {  	v20 =	vld.idx.msk [tilespmem:v19+s26+$0x0], $0xffff;
	_ =	sdelay $0x1  }
0x1b5: {  	v19 =	vld.idx.msk [tilespmem:v19+s28+$0x0], $0xffff;
	_ =	sdelay $0x5  }
0x1b6: {  	v20 =	vld.idx.msk [tilespmem:v20+s4+$0x0], $0xffff;
	_ =	sdelay $0x1  }
0x1b7: {  	v19 =	vld.idx.msk [tilespmem:v19+s4+$0x0], $0xffff  }
0x1b8: {  	s9 =	simm.s32 $0x490  }
0x1b9: {  	v21 =	vor.u32 s9, v0  }
0x1ba: {  	v20 =	vmul.u32 $0x97, v20;
	_ =	sdelay $0x1  }
0x1bb: {  	s8 =	simm.s32 $0x2480;
	v19 =	vadd.s32 v19, v20  }
0x1bc: {  	[tilespmem:s8+$0x0] =	vst v19  }
0x1bd: {  	v19 =	vld.idx.msk [tilespmem:v21+s26+$0x0], $0xffff;
	_ =	sdelay $0x1  }
0x1be: {  	v21 =	vld.idx.msk [tilespmem:v21+s28+$0x0], $0xffff;
	_ =	sdelay $0x5  }
0x1bf: {  	v20 =	vld.idx.msk [tilespmem:v19+s4+$0x0], $0xffff;
	_ =	sdelay $0x1  }
0x1c0: {  	v21 =	vld.idx.msk [tilespmem:v21+s4+$0x0], $0xffff  }
0x1c1: {  	s9 =	simm.s32 $0x4A0  }
0x1c2: {  	v19 =	vor.u32 s9, v0;
	s9 =	simm.s32 $0x4B0  }
.LBB2_22:
0x1c3: {  	p0 =	sne.s32 s9, $0x4F0;
	v20 =	vmul.u32 $0x97, v20;
	_ =	sdelay $0x1  }
0x1c4: {  	s8 =	sadd.s32 $0x10, s8;
	v20 =	vadd.s32 v21, v20  }
0x1c5: {  	[tilespmem:s8+$0x0] =	vst v20  }
0x1c6: {  	v20 =	vld.idx.msk [tilespmem:v19+s26+$0x0], $0xffff;
	_ =	sdelay $0x1  }
0x1c7: {  	v19 =	vld.idx.msk [tilespmem:v19+s28+$0x0], $0xffff;
	_ =	sdelay $0x5  }
0x1c8: {  	v20 =	vld.idx.msk [tilespmem:v20+s4+$0x0], $0xffff  }
.Ltmp10:
0x1c9: {  	(pc) =	sbr.rel @p0 .LBB2_22-.Ltmp10, $2  }
0x1ca: {  	v21 =	vld.idx.msk [tilespmem:v19+s4+$0x0], $0xffff;
	_ =	sdelay $0x2  }
0x1cb: {  	v19 =	vor.u32 s9, v0;
	s9 =	sadd.s32 $0x10, s9  }
0x1cc: {  	v20 =	vmul.u32 $0x97, v20;
	_ =	sdelay $0x1  }
0x1cd: {  	s8 =	sadd.s32 $0x10, s8;
	v20 =	vadd.s32 v21, v20  }
0x1ce: {  	[tilespmem:s8+$0x0] =	vst v20  }
0x1cf: {  	v20 =	vld.idx.msk [tilespmem:v19+s26+$0x0], $0xffff;
	_ =	sdelay $0x1  }
0x1d0: {  	v19 =	vld.idx.msk [tilespmem:v19+s28+$0x0], $0xffff;
	_ =	sdelay $0x5  }
0x1d1: {  	v20 =	vld.idx.msk [tilespmem:v20+s4+$0x0], $0xffff;
	_ =	sdelay $0x1  }
0x1d2: {  	v19 =	vld.idx.msk [tilespmem:v19+s4+$0x0], $0xffff;
	_ =	sdelay $0x2  }
0x1d3: {  	v20 =	vmul.u32 $0x97, v20;
	_ =	sdelay $0x1  }
0x1d4: {  	s8 =	sadd.s32 $0x10, s8;
	v19 =	vadd.s32 v19, v20  }
0x1d5: {  	[tilespmem:s8+$0x0] =	vst v19  }
0x1d6: {  	_ =	swait.ge [sflag:s2], $0x2000  }
0x1d7: {  	[sflag:s2] =	ssyncset.done $0x0  }
0x1d8: {  	s9 =	simm.s32 $0x500;
	[sflag:s2] =	ssyncadd.s32 $0xFFFFE000  }
0x1d9: {  	v19 =	vor.u32 s9, v0;
	[hbm4b:s16+s4] =	stream.linear.scatter [tilespmem:s31], [sflag:$0x2], $0x2000, $0x38;
	[tilespmem:$0xB380] =	vst v63  }
0x1da: {  	_ =	swait.ge [sflag:s5], $0x2000  }
0x1db: {  	[sflag:s5] =	ssyncset.done $0x0  }
0x1dc: {  	s9 =	simm.s32 $0x2480;
	[sflag:s5] =	ssyncadd.s32 $0xFFFFE000  }
0x1dd: {  	[tilespmem:s30], [sflag:$0x1] =	stream.indirect.gather [hbm4b:s3+s0], $0x40, s9, s0, $0xb8;
	[tilespmem:$0xB380] =	vst v63  }
0x1de: {  	v20 =	vld.idx.msk [tilespmem:v19+s26+$0x0], $0xffff;
	_ =	sdelay $0x1  }
0x1df: {  	v19 =	vld.idx.msk [tilespmem:v19+s28+$0x0], $0xffff;
	_ =	sdelay $0x5  }
0x1e0: {  	v20 =	vld.idx.msk [tilespmem:v20+s4+$0x0], $0xffff;
	_ =	sdelay $0x1  }
0x1e1: {  	v19 =	vld.idx.msk [tilespmem:v19+s4+$0x0], $0xffff  }
0x1e2: {  	s9 =	simm.s32 $0x510  }
0x1e3: {  	v21 =	vor.u32 s9, v0  }
0x1e4: {  	v20 =	vmul.u32 $0x97, v20;
	_ =	sdelay $0x1  }
0x1e5: {  	s8 =	simm.s32 $0x2500;
	v19 =	vadd.s32 v19, v20  }
0x1e6: {  	[tilespmem:s8+$0x0] =	vst v19  }
0x1e7: {  	v19 =	vld.idx.msk [tilespmem:v21+s26+$0x0], $0xffff;
	_ =	sdelay $0x1  }
0x1e8: {  	v21 =	vld.idx.msk [tilespmem:v21+s28+$0x0], $0xffff;
	_ =	sdelay $0x5  }
0x1e9: {  	v20 =	vld.idx.msk [tilespmem:v19+s4+$0x0], $0xffff;
	_ =	sdelay $0x1  }
0x1ea: {  	v21 =	vld.idx.msk [tilespmem:v21+s4+$0x0], $0xffff  }
0x1eb: {  	s9 =	simm.s32 $0x520  }
0x1ec: {  	v19 =	vor.u32 s9, v0;
	s9 =	simm.s32 $0x530  }
.LBB2_24:
0x1ed: {  	p0 =	sne.s32 s9, $0x570;
	v20 =	vmul.u32 $0x97, v20;
	_ =	sdelay $0x1  }
0x1ee: {  	s8 =	sadd.s32 $0x10, s8;
	v20 =	vadd.s32 v21, v20  }
0x1ef: {  	[tilespmem:s8+$0x0] =	vst v20  }
0x1f0: {  	v20 =	vld.idx.msk [tilespmem:v19+s26+$0x0], $0xffff;
	_ =	sdelay $0x1  }
0x1f1: {  	v19 =	vld.idx.msk [tilespmem:v19+s28+$0x0], $0xffff;
	_ =	sdelay $0x5  }
0x1f2: {  	v20 =	vld.idx.msk [tilespmem:v20+s4+$0x0], $0xffff  }
.Ltmp11:
0x1f3: {  	(pc) =	sbr.rel @p0 .LBB2_24-.Ltmp11, $2  }
0x1f4: {  	v21 =	vld.idx.msk [tilespmem:v19+s4+$0x0], $0xffff;
	_ =	sdelay $0x2  }
0x1f5: {  	v19 =	vor.u32 s9, v0;
	s9 =	sadd.s32 $0x10, s9  }
0x1f6: {  	v20 =	vmul.u32 $0x97, v20;
	_ =	sdelay $0x1  }
0x1f7: {  	s8 =	sadd.s32 $0x10, s8;
	v20 =	vadd.s32 v21, v20  }
0x1f8: {  	[tilespmem:s8+$0x0] =	vst v20  }
0x1f9: {  	v20 =	vld.idx.msk [tilespmem:v19+s26+$0x0], $0xffff;
	_ =	sdelay $0x1  }
0x1fa: {  	v19 =	vld.idx.msk [tilespmem:v19+s28+$0x0], $0xffff;
	_ =	sdelay $0x5  }
0x1fb: {  	v20 =	vld.idx.msk [tilespmem:v20+s4+$0x0], $0xffff;
	_ =	sdelay $0x1  }
0x1fc: {  	v19 =	vld.idx.msk [tilespmem:v19+s4+$0x0], $0xffff;
	_ =	sdelay $0x2  }
0x1fd: {  	v20 =	vmul.u32 $0x97, v20;
	_ =	sdelay $0x1  }
0x1fe: {  	s8 =	sadd.s32 $0x10, s8;
	v19 =	vadd.s32 v19, v20  }
0x1ff: {  	[tilespmem:s8+$0x0] =	vst v19  }
0x200: {  	_ =	swait.ge [sflag:s2], $0x2000  }
0x201: {  	[sflag:s2] =	ssyncset.done $0x0  }
0x202: {  	s9 =	simm.s32 $0x580;
	[sflag:s2] =	ssyncadd.s32 $0xFFFFE000  }
0x203: {  	v19 =	vor.u32 s9, v0;
	[hbm4b:s17+s4] =	stream.linear.scatter [tilespmem:s30], [sflag:$0x3], $0x2000, $0x38;
	[tilespmem:$0xB380] =	vst v63  }
0x204: {  	_ =	swait.ge [sflag:s1], $0x2000  }
0x205: {  	[sflag:s1] =	ssyncset.done $0x0  }
0x206: {  	s9 =	simm.s32 $0x2500;
	[sflag:s1] =	ssyncadd.s32 $0xFFFFE000  }
0x207: {  	[tilespmem:s31], [sflag:$0x1] =	stream.indirect.gather [hbm4b:s3+s0], $0x40, s9, s0, $0xb8;
	[tilespmem:$0xB380] =	vst v63  }
0x208: {  	v20 =	vld.idx.msk [tilespmem:v19+s26+$0x0], $0xffff;
	_ =	sdelay $0x1  }
0x209: {  	v19 =	vld.idx.msk [tilespmem:v19+s28+$0x0], $0xffff;
	_ =	sdelay $0x5  }
0x20a: {  	v20 =	vld.idx.msk [tilespmem:v20+s4+$0x0], $0xffff;
	_ =	sdelay $0x1  }
0x20b: {  	v19 =	vld.idx.msk [tilespmem:v19+s4+$0x0], $0xffff  }
0x20c: {  	s9 =	simm.s32 $0x590  }
0x20d: {  	v21 =	vor.u32 s9, v0  }
0x20e: {  	v20 =	vmul.u32 $0x97, v20;
	_ =	sdelay $0x1  }
0x20f: {  	s8 =	simm.s32 $0x2580;
	v19 =	vadd.s32 v19, v20  }
0x210: {  	[tilespmem:s8+$0x0] =	vst v19  }
0x211: {  	v19 =	vld.idx.msk [tilespmem:v21+s26+$0x0], $0xffff;
	_ =	sdelay $0x1  }
0x212: {  	v21 =	vld.idx.msk [tilespmem:v21+s28+$0x0], $0xffff;
	_ =	sdelay $0x5  }
0x213: {  	v20 =	vld.idx.msk [tilespmem:v19+s4+$0x0], $0xffff;
	_ =	sdelay $0x1  }
0x214: {  	v21 =	vld.idx.msk [tilespmem:v21+s4+$0x0], $0xffff  }
0x215: {  	s9 =	simm.s32 $0x5A0  }
0x216: {  	v19 =	vor.u32 s9, v0;
	s9 =	simm.s32 $0x5B0  }
.LBB2_26:
0x217: {  	p0 =	sne.s32 s9, $0x5F0;
	v20 =	vmul.u32 $0x97, v20;
	_ =	sdelay $0x1  }
0x218: {  	s8 =	sadd.s32 $0x10, s8;
	v20 =	vadd.s32 v21, v20  }
0x219: {  	[tilespmem:s8+$0x0] =	vst v20  }
0x21a: {  	v20 =	vld.idx.msk [tilespmem:v19+s26+$0x0], $0xffff;
	_ =	sdelay $0x1  }
0x21b: {  	v19 =	vld.idx.msk [tilespmem:v19+s28+$0x0], $0xffff;
	_ =	sdelay $0x5  }
0x21c: {  	v20 =	vld.idx.msk [tilespmem:v20+s4+$0x0], $0xffff  }
.Ltmp12:
0x21d: {  	(pc) =	sbr.rel @p0 .LBB2_26-.Ltmp12, $2  }
0x21e: {  	v21 =	vld.idx.msk [tilespmem:v19+s4+$0x0], $0xffff;
	_ =	sdelay $0x2  }
0x21f: {  	v19 =	vor.u32 s9, v0;
	s9 =	sadd.s32 $0x10, s9  }
0x220: {  	v20 =	vmul.u32 $0x97, v20;
	_ =	sdelay $0x1  }
0x221: {  	s8 =	sadd.s32 $0x10, s8;
	v20 =	vadd.s32 v21, v20  }
0x222: {  	[tilespmem:s8+$0x0] =	vst v20  }
0x223: {  	v20 =	vld.idx.msk [tilespmem:v19+s26+$0x0], $0xffff;
	_ =	sdelay $0x1  }
0x224: {  	v19 =	vld.idx.msk [tilespmem:v19+s28+$0x0], $0xffff;
	_ =	sdelay $0x5  }
0x225: {  	v20 =	vld.idx.msk [tilespmem:v20+s4+$0x0], $0xffff;
	_ =	sdelay $0x1  }
0x226: {  	v19 =	vld.idx.msk [tilespmem:v19+s4+$0x0], $0xffff;
	_ =	sdelay $0x2  }
0x227: {  	v20 =	vmul.u32 $0x97, v20;
	_ =	sdelay $0x1  }
0x228: {  	s8 =	sadd.s32 $0x10, s8;
	v19 =	vadd.s32 v19, v20  }
0x229: {  	[tilespmem:s8+$0x0] =	vst v19  }
0x22a: {  	_ =	swait.ge [sflag:s2], $0x2000  }
0x22b: {  	[sflag:s2] =	ssyncset.done $0x0  }
0x22c: {  	s9 =	simm.s32 $0x600;
	[sflag:s2] =	ssyncadd.s32 $0xFFFFE000  }
0x22d: {  	v19 =	vor.u32 s9, v0;
	[hbm4b:s18+s4] =	stream.linear.scatter [tilespmem:s31], [sflag:$0x2], $0x2000, $0x38;
	[tilespmem:$0xB380] =	vst v63  }
0x22e: {  	_ =	swait.ge [sflag:s5], $0x2000  }
0x22f: {  	[sflag:s5] =	ssyncset.done $0x0  }
0x230: {  	s9 =	simm.s32 $0x2580;
	[sflag:s5] =	ssyncadd.s32 $0xFFFFE000  }
0x231: {  	[tilespmem:s30], [sflag:$0x1] =	stream.indirect.gather [hbm4b:s3+s0], $0x40, s9, s0, $0xb8;
	[tilespmem:$0xB380] =	vst v63  }
0x232: {  	v20 =	vld.idx.msk [tilespmem:v19+s26+$0x0], $0xffff;
	_ =	sdelay $0x1  }
0x233: {  	v19 =	vld.idx.msk [tilespmem:v19+s28+$0x0], $0xffff;
	_ =	sdelay $0x5  }
0x234: {  	v20 =	vld.idx.msk [tilespmem:v20+s4+$0x0], $0xffff;
	_ =	sdelay $0x1  }
0x235: {  	v19 =	vld.idx.msk [tilespmem:v19+s4+$0x0], $0xffff  }
0x236: {  	s9 =	simm.s32 $0x610  }
0x237: {  	v21 =	vor.u32 s9, v0  }
0x238: {  	v20 =	vmul.u32 $0x97, v20;
	_ =	sdelay $0x1  }
0x239: {  	s8 =	simm.s32 $0x2600;
	v19 =	vadd.s32 v19, v20  }
0x23a: {  	[tilespmem:s8+$0x0] =	vst v19  }
0x23b: {  	v19 =	vld.idx.msk [tilespmem:v21+s26+$0x0], $0xffff;
	_ =	sdelay $0x1  }
0x23c: {  	v21 =	vld.idx.msk [tilespmem:v21+s28+$0x0], $0xffff;
	_ =	sdelay $0x5  }
0x23d: {  	v20 =	vld.idx.msk [tilespmem:v19+s4+$0x0], $0xffff;
	_ =	sdelay $0x1  }
0x23e: {  	v21 =	vld.idx.msk [tilespmem:v21+s4+$0x0], $0xffff  }
0x23f: {  	s9 =	simm.s32 $0x620  }
0x240: {  	v19 =	vor.u32 s9, v0;
	s9 =	simm.s32 $0x630  }
.LBB2_28:
0x241: {  	p0 =	sne.s32 s9, $0x670;
	v20 =	vmul.u32 $0x97, v20;
	_ =	sdelay $0x1  }
0x242: {  	s8 =	sadd.s32 $0x10, s8;
	v20 =	vadd.s32 v21, v20  }
0x243: {  	[tilespmem:s8+$0x0] =	vst v20  }
0x244: {  	v20 =	vld.idx.msk [tilespmem:v19+s26+$0x0], $0xffff;
	_ =	sdelay $0x1  }
0x245: {  	v19 =	vld.idx.msk [tilespmem:v19+s28+$0x0], $0xffff;
	_ =	sdelay $0x5  }
0x246: {  	v20 =	vld.idx.msk [tilespmem:v20+s4+$0x0], $0xffff  }
.Ltmp13:
0x247: {  	(pc) =	sbr.rel @p0 .LBB2_28-.Ltmp13, $2  }
0x248: {  	v21 =	vld.idx.msk [tilespmem:v19+s4+$0x0], $0xffff;
	_ =	sdelay $0x2  }
0x249: {  	v19 =	vor.u32 s9, v0;
	s9 =	sadd.s32 $0x10, s9  }
0x24a: {  	v20 =	vmul.u32 $0x97, v20;
	_ =	sdelay $0x1  }
0x24b: {  	s8 =	sadd.s32 $0x10, s8;
	v20 =	vadd.s32 v21, v20  }
0x24c: {  	[tilespmem:s8+$0x0] =	vst v20  }
0x24d: {  	v20 =	vld.idx.msk [tilespmem:v19+s26+$0x0], $0xffff;
	_ =	sdelay $0x1  }
0x24e: {  	v19 =	vld.idx.msk [tilespmem:v19+s28+$0x0], $0xffff;
	_ =	sdelay $0x5  }
0x24f: {  	v20 =	vld.idx.msk [tilespmem:v20+s4+$0x0], $0xffff;
	_ =	sdelay $0x1  }
0x250: {  	v19 =	vld.idx.msk [tilespmem:v19+s4+$0x0], $0xffff;
	_ =	sdelay $0x2  }
0x251: {  	v20 =	vmul.u32 $0x97, v20;
	_ =	sdelay $0x1  }
0x252: {  	s8 =	sadd.s32 $0x10, s8;
	v19 =	vadd.s32 v19, v20  }
0x253: {  	[tilespmem:s8+$0x0] =	vst v19  }
0x254: {  	_ =	swait.ge [sflag:s2], $0x2000  }
0x255: {  	[sflag:s2] =	ssyncset.done $0x0  }
0x256: {  	s9 =	simm.s32 $0x680;
	[sflag:s2] =	ssyncadd.s32 $0xFFFFE000  }
0x257: {  	v19 =	vor.u32 s9, v0;
	[hbm4b:s19+s4] =	stream.linear.scatter [tilespmem:s30], [sflag:$0x3], $0x2000, $0x38;
	[tilespmem:$0xB380] =	vst v63  }
0x258: {  	_ =	swait.ge [sflag:s1], $0x2000  }
0x259: {  	[sflag:s1] =	ssyncset.done $0x0  }
0x25a: {  	s9 =	simm.s32 $0x2600;
	[sflag:s1] =	ssyncadd.s32 $0xFFFFE000  }
0x25b: {  	[tilespmem:s31], [sflag:$0x1] =	stream.indirect.gather [hbm4b:s3+s0], $0x40, s9, s0, $0xb8;
	[tilespmem:$0xB380] =	vst v63  }
0x25c: {  	v20 =	vld.idx.msk [tilespmem:v19+s26+$0x0], $0xffff;
	_ =	sdelay $0x1  }
0x25d: {  	v19 =	vld.idx.msk [tilespmem:v19+s28+$0x0], $0xffff;
	_ =	sdelay $0x5  }
0x25e: {  	v20 =	vld.idx.msk [tilespmem:v20+s4+$0x0], $0xffff;
	_ =	sdelay $0x1  }
0x25f: {  	v19 =	vld.idx.msk [tilespmem:v19+s4+$0x0], $0xffff  }
0x260: {  	s9 =	simm.s32 $0x690  }
0x261: {  	v21 =	vor.u32 s9, v0  }
0x262: {  	v20 =	vmul.u32 $0x97, v20;
	_ =	sdelay $0x1  }
0x263: {  	s8 =	simm.s32 $0x2680;
	v19 =	vadd.s32 v19, v20  }
0x264: {  	[tilespmem:s8+$0x0] =	vst v19  }
0x265: {  	v19 =	vld.idx.msk [tilespmem:v21+s26+$0x0], $0xffff;
	_ =	sdelay $0x1  }
0x266: {  	v21 =	vld.idx.msk [tilespmem:v21+s28+$0x0], $0xffff;
	_ =	sdelay $0x5  }
0x267: {  	v20 =	vld.idx.msk [tilespmem:v19+s4+$0x0], $0xffff;
	_ =	sdelay $0x1  }
0x268: {  	v21 =	vld.idx.msk [tilespmem:v21+s4+$0x0], $0xffff  }
0x269: {  	s9 =	simm.s32 $0x6A0  }
0x26a: {  	v19 =	vor.u32 s9, v0;
	s9 =	simm.s32 $0x6B0  }
.LBB2_30:
0x26b: {  	p0 =	sne.s32 s9, $0x6F0;
	v20 =	vmul.u32 $0x97, v20;
	_ =	sdelay $0x1  }
0x26c: {  	s8 =	sadd.s32 $0x10, s8;
	v20 =	vadd.s32 v21, v20  }
0x26d: {  	[tilespmem:s8+$0x0] =	vst v20  }
0x26e: {  	v20 =	vld.idx.msk [tilespmem:v19+s26+$0x0], $0xffff;
	_ =	sdelay $0x1  }
0x26f: {  	v19 =	vld.idx.msk [tilespmem:v19+s28+$0x0], $0xffff;
	_ =	sdelay $0x5  }
0x270: {  	v20 =	vld.idx.msk [tilespmem:v20+s4+$0x0], $0xffff  }
.Ltmp14:
0x271: {  	(pc) =	sbr.rel @p0 .LBB2_30-.Ltmp14, $2  }
0x272: {  	v21 =	vld.idx.msk [tilespmem:v19+s4+$0x0], $0xffff;
	_ =	sdelay $0x2  }
0x273: {  	v19 =	vor.u32 s9, v0;
	s9 =	sadd.s32 $0x10, s9  }
0x274: {  	v20 =	vmul.u32 $0x97, v20;
	_ =	sdelay $0x1  }
0x275: {  	s8 =	sadd.s32 $0x10, s8;
	v20 =	vadd.s32 v21, v20  }
0x276: {  	[tilespmem:s8+$0x0] =	vst v20  }
0x277: {  	v20 =	vld.idx.msk [tilespmem:v19+s26+$0x0], $0xffff;
	_ =	sdelay $0x1  }
0x278: {  	v19 =	vld.idx.msk [tilespmem:v19+s28+$0x0], $0xffff;
	_ =	sdelay $0x5  }
0x279: {  	v20 =	vld.idx.msk [tilespmem:v20+s4+$0x0], $0xffff;
	_ =	sdelay $0x1  }
0x27a: {  	v19 =	vld.idx.msk [tilespmem:v19+s4+$0x0], $0xffff;
	_ =	sdelay $0x2  }
0x27b: {  	v20 =	vmul.u32 $0x97, v20;
	_ =	sdelay $0x1  }
0x27c: {  	s8 =	sadd.s32 $0x10, s8;
	v19 =	vadd.s32 v19, v20  }
0x27d: {  	[tilespmem:s8+$0x0] =	vst v19  }
0x27e: {  	_ =	swait.ge [sflag:s2], $0x2000  }
0x27f: {  	[sflag:s2] =	ssyncset.done $0x0  }
0x280: {  	s9 =	simm.s32 $0x700;
	[sflag:s2] =	ssyncadd.s32 $0xFFFFE000  }
0x281: {  	v19 =	vor.u32 s9, v0;
	[hbm4b:s20+s4] =	stream.linear.scatter [tilespmem:s31], [sflag:$0x2], $0x2000, $0x38;
	[tilespmem:$0xB380] =	vst v63  }
0x282: {  	_ =	swait.ge [sflag:s5], $0x2000  }
0x283: {  	[sflag:s5] =	ssyncset.done $0x0  }
0x284: {  	s9 =	simm.s32 $0x2680;
	[sflag:s5] =	ssyncadd.s32 $0xFFFFE000  }
0x285: {  	[tilespmem:s30], [sflag:$0x1] =	stream.indirect.gather [hbm4b:s3+s0], $0x40, s9, s0, $0xb8;
	[tilespmem:$0xB380] =	vst v63  }
0x286: {  	v20 =	vld.idx.msk [tilespmem:v19+s26+$0x0], $0xffff;
	_ =	sdelay $0x1  }
0x287: {  	v19 =	vld.idx.msk [tilespmem:v19+s28+$0x0], $0xffff;
	_ =	sdelay $0x5  }
0x288: {  	v20 =	vld.idx.msk [tilespmem:v20+s4+$0x0], $0xffff;
	_ =	sdelay $0x1  }
0x289: {  	v19 =	vld.idx.msk [tilespmem:v19+s4+$0x0], $0xffff  }
0x28a: {  	s9 =	simm.s32 $0x710  }
0x28b: {  	v21 =	vor.u32 s9, v0  }
0x28c: {  	v20 =	vmul.u32 $0x97, v20;
	_ =	sdelay $0x1  }
0x28d: {  	s8 =	simm.s32 $0x2700;
	v19 =	vadd.s32 v19, v20  }
0x28e: {  	[tilespmem:s8+$0x0] =	vst v19  }
0x28f: {  	v19 =	vld.idx.msk [tilespmem:v21+s26+$0x0], $0xffff;
	_ =	sdelay $0x1  }
0x290: {  	v21 =	vld.idx.msk [tilespmem:v21+s28+$0x0], $0xffff;
	_ =	sdelay $0x5  }
0x291: {  	v20 =	vld.idx.msk [tilespmem:v19+s4+$0x0], $0xffff;
	_ =	sdelay $0x1  }
0x292: {  	v21 =	vld.idx.msk [tilespmem:v21+s4+$0x0], $0xffff  }
0x293: {  	s9 =	simm.s32 $0x720  }
0x294: {  	v19 =	vor.u32 s9, v0;
	s9 =	simm.s32 $0x730  }
.LBB2_32:
0x295: {  	p0 =	sne.s32 s9, $0x770;
	v20 =	vmul.u32 $0x97, v20;
	_ =	sdelay $0x1  }
0x296: {  	s8 =	sadd.s32 $0x10, s8;
	v20 =	vadd.s32 v21, v20  }
0x297: {  	[tilespmem:s8+$0x0] =	vst v20  }
0x298: {  	v20 =	vld.idx.msk [tilespmem:v19+s26+$0x0], $0xffff;
	_ =	sdelay $0x1  }
0x299: {  	v19 =	vld.idx.msk [tilespmem:v19+s28+$0x0], $0xffff;
	_ =	sdelay $0x5  }
0x29a: {  	v20 =	vld.idx.msk [tilespmem:v20+s4+$0x0], $0xffff  }
.Ltmp15:
0x29b: {  	(pc) =	sbr.rel @p0 .LBB2_32-.Ltmp15, $2  }
0x29c: {  	v21 =	vld.idx.msk [tilespmem:v19+s4+$0x0], $0xffff;
	_ =	sdelay $0x2  }
0x29d: {  	v19 =	vor.u32 s9, v0;
	s9 =	sadd.s32 $0x10, s9  }
0x29e: {  	v20 =	vmul.u32 $0x97, v20;
	_ =	sdelay $0x1  }
0x29f: {  	s8 =	sadd.s32 $0x10, s8;
	v20 =	vadd.s32 v21, v20  }
0x2a0: {  	[tilespmem:s8+$0x0] =	vst v20  }
0x2a1: {  	v20 =	vld.idx.msk [tilespmem:v19+s26+$0x0], $0xffff;
	_ =	sdelay $0x1  }
0x2a2: {  	v19 =	vld.idx.msk [tilespmem:v19+s28+$0x0], $0xffff;
	_ =	sdelay $0x5  }
0x2a3: {  	v20 =	vld.idx.msk [tilespmem:v20+s4+$0x0], $0xffff;
	_ =	sdelay $0x1  }
0x2a4: {  	v19 =	vld.idx.msk [tilespmem:v19+s4+$0x0], $0xffff;
	_ =	sdelay $0x2  }
0x2a5: {  	v20 =	vmul.u32 $0x97, v20;
	_ =	sdelay $0x1  }
0x2a6: {  	s8 =	sadd.s32 $0x10, s8;
	v19 =	vadd.s32 v19, v20  }
0x2a7: {  	[tilespmem:s8+$0x0] =	vst v19  }
0x2a8: {  	_ =	swait.ge [sflag:s2], $0x2000  }
0x2a9: {  	[sflag:s2] =	ssyncset.done $0x0  }
0x2aa: {  	s9 =	simm.s32 $0x780;
	[sflag:s2] =	ssyncadd.s32 $0xFFFFE000  }
0x2ab: {  	v19 =	vor.u32 s9, v0;
	[hbm4b:s21+s4] =	stream.linear.scatter [tilespmem:s30], [sflag:$0x3], $0x2000, $0x38;
	[tilespmem:$0xB380] =	vst v63  }
0x2ac: {  	_ =	swait.ge [sflag:s1], $0x2000  }
0x2ad: {  	[sflag:s1] =	ssyncset.done $0x0  }
0x2ae: {  	s9 =	simm.s32 $0x2700;
	[sflag:s1] =	ssyncadd.s32 $0xFFFFE000  }
0x2af: {  	[tilespmem:s31], [sflag:$0x1] =	stream.indirect.gather [hbm4b:s3+s0], $0x40, s9, s0, $0xb8;
	[tilespmem:$0xB380] =	vst v63  }
0x2b0: {  	v20 =	vld.idx.msk [tilespmem:v19+s26+$0x0], $0xffff;
	_ =	sdelay $0x1  }
0x2b1: {  	v19 =	vld.idx.msk [tilespmem:v19+s28+$0x0], $0xffff;
	_ =	sdelay $0x5  }
0x2b2: {  	v20 =	vld.idx.msk [tilespmem:v20+s4+$0x0], $0xffff;
	_ =	sdelay $0x1  }
0x2b3: {  	v19 =	vld.idx.msk [tilespmem:v19+s4+$0x0], $0xffff  }
0x2b4: {  	s9 =	simm.s32 $0x790  }
0x2b5: {  	v21 =	vor.u32 s9, v0  }
0x2b6: {  	v20 =	vmul.u32 $0x97, v20;
	_ =	sdelay $0x1  }
0x2b7: {  	s8 =	simm.s32 $0x2780;
	v19 =	vadd.s32 v19, v20  }
0x2b8: {  	[tilespmem:s8+$0x0] =	vst v19  }
0x2b9: {  	v19 =	vld.idx.msk [tilespmem:v21+s26+$0x0], $0xffff;
	_ =	sdelay $0x1  }
0x2ba: {  	v21 =	vld.idx.msk [tilespmem:v21+s28+$0x0], $0xffff;
	_ =	sdelay $0x5  }
0x2bb: {  	v20 =	vld.idx.msk [tilespmem:v19+s4+$0x0], $0xffff;
	_ =	sdelay $0x1  }
0x2bc: {  	v21 =	vld.idx.msk [tilespmem:v21+s4+$0x0], $0xffff  }
0x2bd: {  	s9 =	simm.s32 $0x7A0  }
0x2be: {  	v19 =	vor.u32 s9, v0;
	s9 =	simm.s32 $0x7B0  }
.LBB2_34:
0x2bf: {  	p0 =	sne.s32 s9, $0x7F0;
	v20 =	vmul.u32 $0x97, v20;
	_ =	sdelay $0x1  }
0x2c0: {  	s8 =	sadd.s32 $0x10, s8;
	v20 =	vadd.s32 v21, v20  }
0x2c1: {  	[tilespmem:s8+$0x0] =	vst v20  }
0x2c2: {  	v20 =	vld.idx.msk [tilespmem:v19+s26+$0x0], $0xffff;
	_ =	sdelay $0x1  }
0x2c3: {  	v19 =	vld.idx.msk [tilespmem:v19+s28+$0x0], $0xffff;
	_ =	sdelay $0x5  }
0x2c4: {  	v20 =	vld.idx.msk [tilespmem:v20+s4+$0x0], $0xffff  }
.Ltmp16:
0x2c5: {  	(pc) =	sbr.rel @p0 .LBB2_34-.Ltmp16, $2  }
0x2c6: {  	v21 =	vld.idx.msk [tilespmem:v19+s4+$0x0], $0xffff;
	_ =	sdelay $0x2  }
0x2c7: {  	v19 =	vor.u32 s9, v0;
	s9 =	sadd.s32 $0x10, s9  }
0x2c8: {  	v20 =	vmul.u32 $0x97, v20;
	_ =	sdelay $0x1  }
0x2c9: {  	s8 =	sadd.s32 $0x10, s8;
	v20 =	vadd.s32 v21, v20  }
0x2ca: {  	[tilespmem:s8+$0x0] =	vst v20  }
0x2cb: {  	v20 =	vld.idx.msk [tilespmem:v19+s26+$0x0], $0xffff;
	_ =	sdelay $0x1  }
0x2cc: {  	v19 =	vld.idx.msk [tilespmem:v19+s28+$0x0], $0xffff;
	_ =	sdelay $0x5  }
0x2cd: {  	v20 =	vld.idx.msk [tilespmem:v20+s4+$0x0], $0xffff;
	_ =	sdelay $0x1  }
0x2ce: {  	v19 =	vld.idx.msk [tilespmem:v19+s4+$0x0], $0xffff;
	_ =	sdelay $0x2  }
0x2cf: {  	v20 =	vmul.u32 $0x97, v20;
	_ =	sdelay $0x1  }
0x2d0: {  	s8 =	sadd.s32 $0x10, s8;
	v19 =	vadd.s32 v19, v20  }
0x2d1: {  	[tilespmem:s8+$0x0] =	vst v19  }
0x2d2: {  	_ =	swait.ge [sflag:s2], $0x2000  }
0x2d3: {  	[sflag:s2] =	ssyncset.done $0x0  }
0x2d4: {  	[sflag:s2] =	ssyncadd.s32 $0xFFFFE000  }
0x2d5: {  	[hbm4b:s22+s4] =	stream.linear.scatter [tilespmem:s31], [sflag:$0x2], $0x2000, $0x38;
	[tilespmem:$0xB380] =	vst v63  }
0x2d6: {  	_ =	swait.ge [sflag:s5], $0x2000  }
0x2d7: {  	[sflag:s5] =	ssyncset.done $0x0  }
0x2d8: {  	s9 =	simm.s32 $0x2780;
	[sflag:s5] =	ssyncadd.s32 $0xFFFFE000  }
0x2d9: {  	[tilespmem:s30], [sflag:$0x1] =	stream.indirect.gather [hbm4b:s3+s0], $0x40, s9, s0, $0xb8;
	[tilespmem:$0xB380] =	vst v63  }
0x2da: {  	_ =	swait.ge [sflag:s2], $0x2000  }
0x2db: {  	[sflag:s2] =	ssyncset.done $0x0  }
0x2dc: {  	[sflag:s2] =	ssyncadd.s32 $0xFFFFE000  }
0x2dd: {  	[hbm4b:s23+s4] =	stream.linear.scatter [tilespmem:s30], [sflag:$0x3], $0x2000, $0x38;
	[tilespmem:$0xB380] =	vst v63  }
0x2de: {  	_ =	swait.ge [sflag:s1], $0x2000  }
0x2df: {  	[sflag:s1] =	ssyncset.done $0x0  }
0x2e0: {  	s7 =	sadd.s32 $0x1, s7;
	[sflag:s1] =	ssyncadd.s32 $0xFFFFE000  }
0x2e1: {  	p0 =	sne.s32 s7, s24;
	_ =	swait.ge [sflag:s5], $0x2000  }
.Ltmp17:
0x2e2: {  	[sflag:s5] =	ssyncset.done $0x0;
	(pc) =	sbr.rel @p0 .LBB2_1-.Ltmp17, $4  }
0x2e3: {  	[sflag:s5] =	ssyncadd.s32 $0xFFFFE000  }
0x2e4: {  	_ =	swait.ge [sflag:s6], $0x4B80  }
0x2e5: {  	[sflag:s6] =	ssyncset.done $0x0  }
0x2e6: {  	[sflag:s6] =	ssyncadd.s32 $0xFFFFB480  }
0x2e7: {  	_ =	sfence.sel $0x180000  }
0x2e8: {  	[bflag:$0x0] =	sbarrier.arrive $0xFFFF  }
0x2e9: {  	_ =	strace $0x90000047  }
0x2ea: {  	s0 =	stileid.u32;
	[bflag:$0x2] =	sbarrier.arrive $0xFFFF  }
0x2eb: {  	p0 =	sne.s32 s0, $0x0;
	s0 =	rddreg [dreg:$0x4]  }
0x2ec: {  	s0 =	sadd.s32 @!p0 $0x100000, s0  }
0x2ed: {  	[sflag:s0] =	ssyncadd.tile.s32 @!p0 $0x1;
	_ =	shalt  }
.Lfunc_end2:
_tile_overlayer_lowered:
.L_overlay_start_2:
0x2ee: {  	(tag) =	ssettag $0x2  }
0x2ef: {  	s0 =	rddreg [dreg:$0x0];
	s2 =	stileid.u32  }
0x2f0: {  	s1 =	rddreg [dreg:$0x1];
	p0 =	sne.s32 s2, $0x0  }
0x2f1: {  	s3 =	rddreg [dreg:$0x2];
	[bflag:$0x3] =	sbarrier.arrive $0xFFFF;
	s2 =	simm.s32 @!p0 $0x1C05  }
0x2f2: {  	[timem:s3], [sflag:s2] =	dma.local @!p0 [hbm:s0], s1  }
0x2f3: {  	s0 =	simm.s32 @!p0 $0x5  }
0x2f4: {  	_ =	swait.ge @!p0 [sflag:s0], s1  }
0x2f5: {  	s1 =	ssub.s32 @!p0 $0x0, s1;
	[sflag:s0] =	ssyncset.done @!p0 $0x0  }
0x2f6: {  	[sflag:s0] =	ssyncadd.s32 @!p0 s1  }
0x2f7: {  	[bflag:$0x3] =	sbarrier.arrive $0xFFFF  }
0x2f8: {  	_ =	shalt  }

</sc_bundles>
